<compile_context>
chip_gen: v7x
topology: tpu7x:2x2x1
jax: 0.10.2.dev20260603
libtpu: 0.0.44.dev20260713+nightly
codegen_flags: <defaults>
</compile_context>

<pallas_src>
import functools

import jax
import jax.numpy as jnp
from jax import lax
from jax.experimental import pallas as pl
from jax.experimental.pallas import tpu as pltpu
from jax.experimental.pallas import tpu_sc as plsc

DIM = 64
B = 4096
D = DIM * DIM
NC, NS = 2, 16
NW = NC * NS
BPW = B // NW
CHUNK = 8
NCHUNK = BPW // CHUNK

_MESH = plsc.VectorSubcoreMesh(
    core_axis_name="c", subcore_axis_name="s", num_cores=NC, num_subcores=NS)


@functools.partial(
    pl.kernel,
    mesh=_MESH,
    out_type=jax.ShapeDtypeStruct((B, D), jnp.float32),
    scratch_types=[
        pltpu.VMEM((NCHUNK, CHUNK), jnp.int32),
        pltpu.VMEM((CHUNK, D), jnp.float32),
        pltpu.VMEM((CHUNK, D), jnp.float32),
        pltpu.SemaphoreType.DMA,
        pltpu.SemaphoreType.DMA,
        pltpu.SemaphoreType.DMA,
        pltpu.SemaphoreType.DMA,
    ],
)
def _gather_rows(idx_hbm, maps_hbm, out_hbm, idx_v, buf0, buf1,
                 gsem0, gsem1, wsem0, wsem1):
    wid = lax.axis_index("s") * NC + lax.axis_index("c")
    base = wid * BPW

    pltpu.sync_copy(idx_hbm.at[wid], idx_v)

    bufs = (buf0, buf1)
    gsems = (gsem0, gsem1)
    wsems = (wsem0, wsem1)
    gathers = [None, None]
    writes = [None, None]

    gathers[0] = pltpu.async_copy(maps_hbm.at[idx_v.at[0]], bufs[0], gsems[0])

    for ci in range(NCHUNK):
        b = ci % 2
        nb = (ci + 1) % 2
        if ci + 1 < NCHUNK:
            if writes[nb] is not None:
                writes[nb].wait()
                writes[nb] = None
            gathers[nb] = pltpu.async_copy(
                maps_hbm.at[idx_v.at[ci + 1]], bufs[nb], gsems[nb])
        gathers[b].wait()
        writes[b] = pltpu.async_copy(
            bufs[b], out_hbm.at[pl.ds(base + ci * CHUNK, CHUNK)], wsems[b])

    writes[0].wait()
    writes[1].wait()


def kernel(position_ids, maps):
    idx = position_ids.reshape(NW, NCHUNK, CHUNK).astype(jnp.int32)
    maps2d = maps.reshape(maps.shape[0], D)
    out = _gather_rows(idx, maps2d)
    return out.reshape(1, 1, B, DIM, DIM)

# --- scband reference (transcript-rebuilt; emitter-appended) ---
"""Pipeline reference for scband-rotary-38414187495623 (READ-ONLY COPY).

The authoritative reference and input builder live on the scoring server;
editing this copy changes nothing except your own understanding.
"""

import jax, jax.numpy as jnp
import numpy as np
from math import ceil, log2

DIM = 64
SIZE = 8192

def make_angle_matrix(dim, base=10000):
    angles = np.arange(0, dim / 2, 1.0) / dim
    angles = base ** (-2.0 * angles)
    cos = np.repeat(np.cos(angles), 2)
    sin = np.repeat(np.sin(angles), 2)
    sin[1::2] = 0.0
    r = np.zeros((dim, dim), dtype=np.float64)
    idx = np.arange(dim)
    r[idx, idx] = cos
    i = np.arange(dim - 1)
    r[i + 1, i] = sin[:-1]
    r[i, i + 1] = -sin[:-1]
    return r

def make_maps(dim, size):
    prim = make_angle_matrix(dim)
    maps = prim[None, :, :]
    for _ in range(ceil(log2(size))):
        longest = maps[-1]
        maps = np.concatenate((maps, maps @ longest), axis=0)
    maps = maps[:size]
    eye = np.eye(dim, dtype=np.float64)[None, :, :]
    return np.concatenate((eye, maps), axis=0)

def setup_inputs(seed: int = 0) -> dict:
    key = jax.random.key(seed)
    k1, k2 = jax.random.split(key)
    position_ids = jax.random.randint(k1, (1, 4096), 0, SIZE + 1, dtype=jnp.int64 if jax.config.read('jax_enable_x64') else jnp.int32)
    maps = jnp.asarray(make_maps(DIM, SIZE), dtype=jnp.float32)
    return {"position_ids": position_ids, "maps": maps}

def reference(position_ids, maps):
    # forward: self.maps[position_ids][None]
    return maps[position_ids][None]

if __name__ == "__main__":
    import jax
    _d = setup_inputs()
    print(jax.jit(kernel)(*tuple(_d.values())))

</pallas_src>

<mosaic_0001>
#map = affine_map<(d0, d1) -> (0, 0, 0)>
#map1 = affine_map<(d0, d1) -> (0, 0)>
module attributes {stable_mosaic.version = 14 : i64} {
  func.func @_gather_rows(%arg0: i32, %arg1: i32, %arg2: memref<32x16x8xi32, #tpu.memory_space<hbm>>, %arg3: memref<8193x4096xf32, #tpu.memory_space<hbm>>, %arg4: memref<4096x4096xf32, #tpu.memory_space<hbm>>, %arg5: memref<16x8xi32, #tpu.memory_space<vmem>>, %arg6: memref<8x4096xf32, #tpu.memory_space<vmem>>, %arg7: memref<8x4096xf32, #tpu.memory_space<vmem>>, %arg8: memref<!tpu.dma_semaphore, #tpu.memory_space<semaphore_mem>>, %arg9: memref<!tpu.dma_semaphore, #tpu.memory_space<semaphore_mem>>, %arg10: memref<!tpu.dma_semaphore, #tpu.memory_space<semaphore_mem>>, %arg11: memref<!tpu.dma_semaphore, #tpu.memory_space<semaphore_mem>>) attributes {dimension_semantics = [#tpu.dimension_semantics<core_parallel>, #tpu.dimension_semantics<subcore_parallel>], iteration_bounds = array<i64: 2, 16>, scalar_prefetch = 0 : i64, scratch_operands = 7 : i64, tpu.core_type = #tpu.core_type<sc_vector_subcore>, window_params = [{transform_indices = #map}, {transform_indices = #map1}, {transform_indices = #map1}]} {
    %mul3A = arith.constant 2 : i32
    %mul3A_0 = arith.muli %arg1, %mul3A : i32
    %add3A = arith.addi %mul3A_0, %arg0 : i32
    %mul3A_1 = arith.constant 128 : i32
    %mul3A_2 = arith.muli %add3A, %mul3A_1 : i32
    "tpu.region"() ({
      %run_scoped3A = tpu.sem_alloc : memref<!tpu.dma_semaphore, #tpu.memory_space<semaphore_mem>>
      %dma_start3A_385 = arith.constant 0 : i32
      %dma_start3A_386 = arith.constant 0 : i32
      %dma_start3A_387 = tpu.memref_slice %arg2[%add3A, %dma_start3A_385, %dma_start3A_386] : memref<32x16x8xi32, #tpu.memory_space<hbm>> -> memref<1x16x8xi32, #tpu.memory_space<hbm>>
      %dma_start3A_388 = tpu.memref_squeeze %dma_start3A_387 : memref<1x16x8xi32, #tpu.memory_space<hbm>> -> memref<16x8xi32, #tpu.memory_space<hbm>>
      %dma_start3A_389 = arith.constant 0 : i32
      %dma_start3A_390 = arith.constant 0 : i32
      %dma_start3A_391 = tpu.memref_slice %arg2[%add3A, %dma_start3A_389, %dma_start3A_390] : memref<32x16x8xi32, #tpu.memory_space<hbm>> -> memref<1x16x8xi32, #tpu.memory_space<hbm>>
      %dma_start3A_392 = tpu.memref_squeeze %dma_start3A_391 : memref<1x16x8xi32, #tpu.memory_space<hbm>> -> memref<16x8xi32, #tpu.memory_space<hbm>>
      tpu.enqueue_dma source(%dma_start3A_392 : memref<16x8xi32, #tpu.memory_space<hbm>>) target(%arg5 : memref<16x8xi32, #tpu.memory_space<vmem>>) target_semaphore(%run_scoped3A : memref<!tpu.dma_semaphore, #tpu.memory_space<semaphore_mem>>)
      %dma_wait3A_393 = arith.constant 0 : i32
      %dma_wait3A_394 = arith.constant 0 : i32
      %dma_wait3A_395 = tpu.memref_slice %arg2[%add3A, %dma_wait3A_393, %dma_wait3A_394] : memref<32x16x8xi32, #tpu.memory_space<hbm>> -> memref<1x16x8xi32, #tpu.memory_space<hbm>>
      %dma_wait3A_396 = tpu.memref_squeeze %dma_wait3A_395 : memref<1x16x8xi32, #tpu.memory_space<hbm>> -> memref<16x8xi32, #tpu.memory_space<hbm>>
      %dma_wait3A_397 = arith.constant 0 : i32
      %dma_wait3A_398 = arith.constant 0 : i32
      %dma_wait3A_399 = tpu.memref_slice %arg2[%add3A, %dma_wait3A_397, %dma_wait3A_398] : memref<32x16x8xi32, #tpu.memory_space<hbm>> -> memref<1x16x8xi32, #tpu.memory_space<hbm>>
      %dma_wait3A_400 = tpu.memref_squeeze %dma_wait3A_399 : memref<1x16x8xi32, #tpu.memory_space<hbm>> -> memref<16x8xi32, #tpu.memory_space<hbm>>
      tpu.wait_dma2 semaphore(%run_scoped3A : memref<!tpu.dma_semaphore, #tpu.memory_space<semaphore_mem>>) src(%dma_wait3A_400 : memref<16x8xi32, #tpu.memory_space<hbm>>) dst(%arg5 : memref<16x8xi32, #tpu.memory_space<vmem>>)
      tpu.yield
    }) : () -> ()
    %dma_start3A = arith.constant 0 : i32
    %dma_start3A_3 = arith.constant 0 : i32
    %dma_start3A_4 = tpu.memref_slice %arg5[%dma_start3A, %dma_start3A_3] : memref<16x8xi32, #tpu.memory_space<vmem>> -> memref<1x8xi32, #tpu.memory_space<vmem>>
    %dma_start3A_5 = tpu.memref_squeeze %dma_start3A_4 : memref<1x8xi32, #tpu.memory_space<vmem>> -> memref<8xi32, #tpu.memory_space<vmem>>
    %dma_start3A_6 = arith.constant 0 : i32
    %dma_start3A_7 = arith.constant 0 : i32
    %dma_start3A_8 = tpu.memref_slice %arg3[%dma_start3A_6, %dma_start3A_7] : memref<8193x4096xf32, #tpu.memory_space<hbm>> -> memref<8193x4096xf32, #tpu.memory_space<hbm>>
    tpu.enqueue_indirect_dma source(%dma_start3A_8 : memref<8193x4096xf32, #tpu.memory_space<hbm>>) target(%arg6 : memref<8x4096xf32, #tpu.memory_space<vmem>>) offsets(%dma_start3A_5 : memref<8xi32, #tpu.memory_space<vmem>>) semaphore(%arg8 : memref<!tpu.dma_semaphore, #tpu.memory_space<semaphore_mem>>)
    %dma_start3A_9 = arith.constant 1 : i32
    %dma_start3A_10 = arith.constant 0 : i32
    %dma_start3A_11 = tpu.memref_slice %arg5[%dma_start3A_9, %dma_start3A_10] : memref<16x8xi32, #tpu.memory_space<vmem>> -> memref<1x8xi32, #tpu.memory_space<vmem>>
    %dma_start3A_12 = tpu.memref_squeeze %dma_start3A_11 : memref<1x8xi32, #tpu.memory_space<vmem>> -> memref<8xi32, #tpu.memory_space<vmem>>
    %dma_start3A_13 = arith.constant 0 : i32
    %dma_start3A_14 = arith.constant 0 : i32
    %dma_start3A_15 = tpu.memref_slice %arg3[%dma_start3A_13, %dma_start3A_14] : memref<8193x4096xf32, #tpu.memory_space<hbm>> -> memref<8193x4096xf32, #tpu.memory_space<hbm>>
    tpu.enqueue_indirect_dma source(%dma_start3A_15 : memref<8193x4096xf32, #tpu.memory_space<hbm>>) target(%arg7 : memref<8x4096xf32, #tpu.memory_space<vmem>>) offsets(%dma_start3A_12 : memref<8xi32, #tpu.memory_space<vmem>>) semaphore(%arg9 : memref<!tpu.dma_semaphore, #tpu.memory_space<semaphore_mem>>)
    %dma_wait3A = arith.constant 0 : i32
    %dma_wait3A_16 = arith.constant 0 : i32
    %dma_wait3A_17 = tpu.memref_slice %arg5[%dma_wait3A, %dma_wait3A_16] : memref<16x8xi32, #tpu.memory_space<vmem>> -> memref<1x8xi32, #tpu.memory_space<vmem>>
    %dma_wait3A_18 = tpu.memref_squeeze %dma_wait3A_17 : memref<1x8xi32, #tpu.memory_space<vmem>> -> memref<8xi32, #tpu.memory_space<vmem>>
    %dma_wait3A_19 = arith.constant 0 : i32
    %dma_wait3A_20 = arith.constant 0 : i32
    %dma_wait3A_21 = tpu.memref_slice %arg3[%dma_wait3A_19, %dma_wait3A_20] : memref<8193x4096xf32, #tpu.memory_space<hbm>> -> memref<8193x4096xf32, #tpu.memory_space<hbm>>
    tpu.wait_indirect_dma semaphore(%arg8 : memref<!tpu.dma_semaphore, #tpu.memory_space<semaphore_mem>>) src(%dma_wait3A_21 : memref<8193x4096xf32, #tpu.memory_space<hbm>>) dst(%arg6 : memref<8x4096xf32, #tpu.memory_space<vmem>>)
    %add3A_22 = arith.constant 0 : i32
    %add3A_23 = arith.addi %mul3A_2, %add3A_22 : i32
    %dma_start3A_24 = arith.constant 0 : i32
    %dma_start3A_25 = tpu.memref_slice %arg4[%add3A_23, %dma_start3A_24] : memref<4096x4096xf32, #tpu.memory_space<hbm>> -> memref<8x4096xf32, #tpu.memory_space<hbm>>
    %dma_start3A_26 = arith.constant 0 : i32
    %dma_start3A_27 = tpu.memref_slice %arg4[%add3A_23, %dma_start3A_26] : memref<4096x4096xf32, #tpu.memory_space<hbm>> -> memref<8x4096xf32, #tpu.memory_space<hbm>>
    tpu.enqueue_dma source(%arg6 : memref<8x4096xf32, #tpu.memory_space<vmem>>) target(%dma_start3A_27 : memref<8x4096xf32, #tpu.memory_space<hbm>>) target_semaphore(%arg10 : memref<!tpu.dma_semaphore, #tpu.memory_space<semaphore_mem>>)
    %dma_wait3A_28 = arith.constant 0 : i32
    %dma_wait3A_29 = tpu.memref_slice %arg4[%add3A_23, %dma_wait3A_28] : memref<4096x4096xf32, #tpu.memory_space<hbm>> -> memref<8x4096xf32, #tpu.memory_space<hbm>>
    %dma_wait3A_30 = arith.constant 0 : i32
    %dma_wait3A_31 = tpu.memref_slice %arg4[%add3A_23, %dma_wait3A_30] : memref<4096x4096xf32, #tpu.memory_space<hbm>> -> memref<8x4096xf32, #tpu.memory_space<hbm>>
    tpu.wait_dma2 semaphore(%arg10 : memref<!tpu.dma_semaphore, #tpu.memory_space<semaphore_mem>>) src(%arg6 : memref<8x4096xf32, #tpu.memory_space<vmem>>) dst(%dma_wait3A_31 : memref<8x4096xf32, #tpu.memory_space<hbm>>)
    %dma_start3A_32 = arith.constant 2 : i32
    %dma_start3A_33 = arith.constant 0 : i32
    %dma_start3A_34 = tpu.memref_slice %arg5[%dma_start3A_32, %dma_start3A_33] : memref<16x8xi32, #tpu.memory_space<vmem>> -> memref<1x8xi32, #tpu.memory_space<vmem>>
    %dma_start3A_35 = tpu.memref_squeeze %dma_start3A_34 : memref<1x8xi32, #tpu.memory_space<vmem>> -> memref<8xi32, #tpu.memory_space<vmem>>
    %dma_start3A_36 = arith.constant 0 : i32
    %dma_start3A_37 = arith.constant 0 : i32
    %dma_start3A_38 = tpu.memref_slice %arg3[%dma_start3A_36, %dma_start3A_37] : memref<8193x4096xf32, #tpu.memory_space<hbm>> -> memref<8193x4096xf32, #tpu.memory_space<hbm>>
    tpu.enqueue_indirect_dma source(%dma_start3A_38 : memref<8193x4096xf32, #tpu.memory_space<hbm>>) target(%arg6 : memref<8x4096xf32, #tpu.memory_space<vmem>>) offsets(%dma_start3A_35 : memref<8xi32, #tpu.memory_space<vmem>>) semaphore(%arg8 : memref<!tpu.dma_semaphore, #tpu.memory_space<semaphore_mem>>)
    %dma_wait3A_39 = arith.constant 1 : i32
    %dma_wait3A_40 = arith.constant 0 : i32
    %dma_wait3A_41 = tpu.memref_slice %arg5[%dma_wait3A_39, %dma_wait3A_40] : memref<16x8xi32, #tpu.memory_space<vmem>> -> memref<1x8xi32, #tpu.memory_space<vmem>>
    %dma_wait3A_42 = tpu.memref_squeeze %dma_wait3A_41 : memref<1x8xi32, #tpu.memory_space<vmem>> -> memref<8xi32, #tpu.memory_space<vmem>>
    %dma_wait3A_43 = arith.constant 0 : i32
    %dma_wait3A_44 = arith.constant 0 : i32
    %dma_wait3A_45 = tpu.memref_slice %arg3[%dma_wait3A_43, %dma_wait3A_44] : memref<8193x4096xf32, #tpu.memory_space<hbm>> -> memref<8193x4096xf32, #tpu.memory_space<hbm>>
    tpu.wait_indirect_dma semaphore(%arg9 : memref<!tpu.dma_semaphore, #tpu.memory_space<semaphore_mem>>) src(%dma_wait3A_45 : memref<8193x4096xf32, #tpu.memory_space<hbm>>) dst(%arg7 : memref<8x4096xf32, #tpu.memory_space<vmem>>)
    %add3A_46 = arith.constant 8 : i32
    %add3A_47 = arith.addi %mul3A_2, %add3A_46 : i32
    %dma_start3A_48 = arith.constant 0 : i32
    %dma_start3A_49 = tpu.memref_slice %arg4[%add3A_47, %dma_start3A_48] : memref<4096x4096xf32, #tpu.memory_space<hbm>> -> memref<8x4096xf32, #tpu.memory_space<hbm>>
    %dma_start3A_50 = arith.constant 0 : i32
    %dma_start3A_51 = tpu.memref_slice %arg4[%add3A_47, %dma_start3A_50] : memref<4096x4096xf32, #tpu.memory_space<hbm>> -> memref<8x4096xf32, #tpu.memory_space<hbm>>
    tpu.enqueue_dma source(%arg7 : memref<8x4096xf32, #tpu.memory_space<vmem>>) target(%dma_start3A_51 : memref<8x4096xf32, #tpu.memory_space<hbm>>) target_semaphore(%arg11 : memref<!tpu.dma_semaphore, #tpu.memory_space<semaphore_mem>>)
    %dma_wait3A_52 = arith.constant 0 : i32
    %dma_wait3A_53 = tpu.memref_slice %arg4[%add3A_47, %dma_wait3A_52] : memref<4096x4096xf32, #tpu.memory_space<hbm>> -> memref<8x4096xf32, #tpu.memory_space<hbm>>
    %dma_wait3A_54 = arith.constant 0 : i32
    %dma_wait3A_55 = tpu.memref_slice %arg4[%add3A_47, %dma_wait3A_54] : memref<4096x4096xf32, #tpu.memory_space<hbm>> -> memref<8x4096xf32, #tpu.memory_space<hbm>>
    tpu.wait_dma2 semaphore(%arg11 : memref<!tpu.dma_semaphore, #tpu.memory_space<semaphore_mem>>) src(%arg7 : memref<8x4096xf32, #tpu.memory_space<vmem>>) dst(%dma_wait3A_55 : memref<8x4096xf32, #tpu.memory_space<hbm>>)
    %dma_start3A_56 = arith.constant 3 : i32
    %dma_start3A_57 = arith.constant 0 : i32
    %dma_start3A_58 = tpu.memref_slice %arg5[%dma_start3A_56, %dma_start3A_57] : memref<16x8xi32, #tpu.memory_space<vmem>> -> memref<1x8xi32, #tpu.memory_space<vmem>>
    %dma_start3A_59 = tpu.memref_squeeze %dma_start3A_58 : memref<1x8xi32, #tpu.memory_space<vmem>> -> memref<8xi32, #tpu.memory_space<vmem>>
    %dma_start3A_60 = arith.constant 0 : i32
    %dma_start3A_61 = arith.constant 0 : i32
    %dma_start3A_62 = tpu.memref_slice %arg3[%dma_start3A_60, %dma_start3A_61] : memref<8193x4096xf32, #tpu.memory_space<hbm>> -> memref<8193x4096xf32, #tpu.memory_space<hbm>>
    tpu.enqueue_indirect_dma source(%dma_start3A_62 : memref<8193x4096xf32, #tpu.memory_space<hbm>>) target(%arg7 : memref<8x4096xf32, #tpu.memory_space<vmem>>) offsets(%dma_start3A_59 : memref<8xi32, #tpu.memory_space<vmem>>) semaphore(%arg9 : memref<!tpu.dma_semaphore, #tpu.memory_space<semaphore_mem>>)
    %dma_wait3A_63 = arith.constant 2 : i32
    %dma_wait3A_64 = arith.constant 0 : i32
    %dma_wait3A_65 = tpu.memref_slice %arg5[%dma_wait3A_63, %dma_wait3A_64] : memref<16x8xi32, #tpu.memory_space<vmem>> -> memref<1x8xi32, #tpu.memory_space<vmem>>
    %dma_wait3A_66 = tpu.memref_squeeze %dma_wait3A_65 : memref<1x8xi32, #tpu.memory_space<vmem>> -> memref<8xi32, #tpu.memory_space<vmem>>
    %dma_wait3A_67 = arith.constant 0 : i32
    %dma_wait3A_68 = arith.constant 0 : i32
    %dma_wait3A_69 = tpu.memref_slice %arg3[%dma_wait3A_67, %dma_wait3A_68] : memref<8193x4096xf32, #tpu.memory_space<hbm>> -> memref<8193x4096xf32, #tpu.memory_space<hbm>>
    tpu.wait_indirect_dma semaphore(%arg8 : memref<!tpu.dma_semaphore, #tpu.memory_space<semaphore_mem>>) src(%dma_wait3A_69 : memref<8193x4096xf32, #tpu.memory_space<hbm>>) dst(%arg6 : memref<8x4096xf32, #tpu.memory_space<vmem>>)
    %add3A_70 = arith.constant 16 : i32
    %add3A_71 = arith.addi %mul3A_2, %add3A_70 : i32
    %dma_start3A_72 = arith.constant 0 : i32
    %dma_start3A_73 = tpu.memref_slice %arg4[%add3A_71, %dma_start3A_72] : memref<4096x4096xf32, #tpu.memory_space<hbm>> -> memref<8x4096xf32, #tpu.memory_space<hbm>>
    %dma_start3A_74 = arith.constant 0 : i32
    %dma_start3A_75 = tpu.memref_slice %arg4[%add3A_71, %dma_start3A_74] : memref<4096x4096xf32, #tpu.memory_space<hbm>> -> memref<8x4096xf32, #tpu.memory_space<hbm>>
    tpu.enqueue_dma source(%arg6 : memref<8x4096xf32, #tpu.memory_space<vmem>>) target(%dma_start3A_75 : memref<8x4096xf32, #tpu.memory_space<hbm>>) target_semaphore(%arg10 : memref<!tpu.dma_semaphore, #tpu.memory_space<semaphore_mem>>)
    %dma_wait3A_76 = arith.constant 0 : i32
    %dma_wait3A_77 = tpu.memref_slice %arg4[%add3A_71, %dma_wait3A_76] : memref<4096x4096xf32, #tpu.memory_space<hbm>> -> memref<8x4096xf32, #tpu.memory_space<hbm>>
    %dma_wait3A_78 = arith.constant 0 : i32
    %dma_wait3A_79 = tpu.memref_slice %arg4[%add3A_71, %dma_wait3A_78] : memref<4096x4096xf32, #tpu.memory_space<hbm>> -> memref<8x4096xf32, #tpu.memory_space<hbm>>
    tpu.wait_dma2 semaphore(%arg10 : memref<!tpu.dma_semaphore, #tpu.memory_space<semaphore_mem>>) src(%arg6 : memref<8x4096xf32, #tpu.memory_space<vmem>>) dst(%dma_wait3A_79 : memref<8x4096xf32, #tpu.memory_space<hbm>>)
    %dma_start3A_80 = arith.constant 4 : i32
    %dma_start3A_81 = arith.constant 0 : i32
    %dma_start3A_82 = tpu.memref_slice %arg5[%dma_start3A_80, %dma_start3A_81] : memref<16x8xi32, #tpu.memory_space<vmem>> -> memref<1x8xi32, #tpu.memory_space<vmem>>
    %dma_start3A_83 = tpu.memref_squeeze %dma_start3A_82 : memref<1x8xi32, #tpu.memory_space<vmem>> -> memref<8xi32, #tpu.memory_space<vmem>>
    %dma_start3A_84 = arith.constant 0 : i32
    %dma_start3A_85 = arith.constant 0 : i32
    %dma_start3A_86 = tpu.memref_slice %arg3[%dma_start3A_84, %dma_start3A_85] : memref<8193x4096xf32, #tpu.memory_space<hbm>> -> memref<8193x4096xf32, #tpu.memory_space<hbm>>
    tpu.enqueue_indirect_dma source(%dma_start3A_86 : memref<8193x4096xf32, #tpu.memory_space<hbm>>) target(%arg6 : memref<8x4096xf32, #tpu.memory_space<vmem>>) offsets(%dma_start3A_83 : memref<8xi32, #tpu.memory_space<vmem>>) semaphore(%arg8 : memref<!tpu.dma_semaphore, #tpu.memory_space<semaphore_mem>>)
    %dma_wait3A_87 = arith.constant 3 : i32
    %dma_wait3A_88 = arith.constant 0 : i32
    %dma_wait3A_89 = tpu.memref_slice %arg5[%dma_wait3A_87, %dma_wait3A_88] : memref<16x8xi32, #tpu.memory_space<vmem>> -> memref<1x8xi32, #tpu.memory_space<vmem>>
    %dma_wait3A_90 = tpu.memref_squeeze %dma_wait3A_89 : memref<1x8xi32, #tpu.memory_space<vmem>> -> memref<8xi32, #tpu.memory_space<vmem>>
    %dma_wait3A_91 = arith.constant 0 : i32
    %dma_wait3A_92 = arith.constant 0 : i32
    %dma_wait3A_93 = tpu.memref_slice %arg3[%dma_wait3A_91, %dma_wait3A_92] : memref<8193x4096xf32, #tpu.memory_space<hbm>> -> memref<8193x4096xf32, #tpu.memory_space<hbm>>
    tpu.wait_indirect_dma semaphore(%arg9 : memref<!tpu.dma_semaphore, #tpu.memory_space<semaphore_mem>>) src(%dma_wait3A_93 : memref<8193x4096xf32, #tpu.memory_space<hbm>>) dst(%arg7 : memref<8x4096xf32, #tpu.memory_space<vmem>>)
    %add3A_94 = arith.constant 24 : i32
    %add3A_95 = arith.addi %mul3A_2, %add3A_94 : i32
    %dma_start3A_96 = arith.constant 0 : i32
    %dma_start3A_97 = tpu.memref_slice %arg4[%add3A_95, %dma_start3A_96] : memref<4096x4096xf32, #tpu.memory_space<hbm>> -> memref<8x4096xf32, #tpu.memory_space<hbm>>
    %dma_start3A_98 = arith.constant 0 : i32
    %dma_start3A_99 = tpu.memref_slice %arg4[%add3A_95, %dma_start3A_98] : memref<4096x4096xf32, #tpu.memory_space<hbm>> -> memref<8x4096xf32, #tpu.memory_space<hbm>>
    tpu.enqueue_dma source(%arg7 : memref<8x4096xf32, #tpu.memory_space<vmem>>) target(%dma_start3A_99 : memref<8x4096xf32, #tpu.memory_space<hbm>>) target_semaphore(%arg11 : memref<!tpu.dma_semaphore, #tpu.memory_space<semaphore_mem>>)
    %dma_wait3A_100 = arith.constant 0 : i32
    %dma_wait3A_101 = tpu.memref_slice %arg4[%add3A_95, %dma_wait3A_100] : memref<4096x4096xf32, #tpu.memory_space<hbm>> -> memref<8x4096xf32, #tpu.memory_space<hbm>>
    %dma_wait3A_102 = arith.constant 0 : i32
    %dma_wait3A_103 = tpu.memref_slice %arg4[%add3A_95, %dma_wait3A_102] : memref<4096x4096xf32, #tpu.memory_space<hbm>> -> memref<8x4096xf32, #tpu.memory_space<hbm>>
    tpu.wait_dma2 semaphore(%arg11 : memref<!tpu.dma_semaphore, #tpu.memory_space<semaphore_mem>>) src(%arg7 : memref<8x4096xf32, #tpu.memory_space<vmem>>) dst(%dma_wait3A_103 : memref<8x4096xf32, #tpu.memory_space<hbm>>)
    %dma_start3A_104 = arith.constant 5 : i32
    %dma_start3A_105 = arith.constant 0 : i32
    %dma_start3A_106 = tpu.memref_slice %arg5[%dma_start3A_104, %dma_start3A_105] : memref<16x8xi32, #tpu.memory_space<vmem>> -> memref<1x8xi32, #tpu.memory_space<vmem>>
    %dma_start3A_107 = tpu.memref_squeeze %dma_start3A_106 : memref<1x8xi32, #tpu.memory_space<vmem>> -> memref<8xi32, #tpu.memory_space<vmem>>
    %dma_start3A_108 = arith.constant 0 : i32
    %dma_start3A_109 = arith.constant 0 : i32
    %dma_start3A_110 = tpu.memref_slice %arg3[%dma_start3A_108, %dma_start3A_109] : memref<8193x4096xf32, #tpu.memory_space<hbm>> -> memref<8193x4096xf32, #tpu.memory_space<hbm>>
    tpu.enqueue_indirect_dma source(%dma_start3A_110 : memref<8193x4096xf32, #tpu.memory_space<hbm>>) target(%arg7 : memref<8x4096xf32, #tpu.memory_space<vmem>>) offsets(%dma_start3A_107 : memref<8xi32, #tpu.memory_space<vmem>>) semaphore(%arg9 : memref<!tpu.dma_semaphore, #tpu.memory_space<semaphore_mem>>)
    %dma_wait3A_111 = arith.constant 4 : i32
    %dma_wait3A_112 = arith.constant 0 : i32
    %dma_wait3A_113 = tpu.memref_slice %arg5[%dma_wait3A_111, %dma_wait3A_112] : memref<16x8xi32, #tpu.memory_space<vmem>> -> memref<1x8xi32, #tpu.memory_space<vmem>>
    %dma_wait3A_114 = tpu.memref_squeeze %dma_wait3A_113 : memref<1x8xi32, #tpu.memory_space<vmem>> -> memref<8xi32, #tpu.memory_space<vmem>>
    %dma_wait3A_115 = arith.constant 0 : i32
    %dma_wait3A_116 = arith.constant 0 : i32
    %dma_wait3A_117 = tpu.memref_slice %arg3[%dma_wait3A_115, %dma_wait3A_116] : memref<8193x4096xf32, #tpu.memory_space<hbm>> -> memref<8193x4096xf32, #tpu.memory_space<hbm>>
    tpu.wait_indirect_dma semaphore(%arg8 : memref<!tpu.dma_semaphore, #tpu.memory_space<semaphore_mem>>) src(%dma_wait3A_117 : memref<8193x4096xf32, #tpu.memory_space<hbm>>) dst(%arg6 : memref<8x4096xf32, #tpu.memory_space<vmem>>)
    %add3A_118 = arith.constant 32 : i32
    %add3A_119 = arith.addi %mul3A_2, %add3A_118 : i32
    %dma_start3A_120 = arith.constant 0 : i32
    %dma_start3A_121 = tpu.memref_slice %arg4[%add3A_119, %dma_start3A_120] : memref<4096x4096xf32, #tpu.memory_space<hbm>> -> memref<8x4096xf32, #tpu.memory_space<hbm>>
    %dma_start3A_122 = arith.constant 0 : i32
    %dma_start3A_123 = tpu.memref_slice %arg4[%add3A_119, %dma_start3A_122] : memref<4096x4096xf32, #tpu.memory_space<hbm>> -> memref<8x4096xf32, #tpu.memory_space<hbm>>
    tpu.enqueue_dma source(%arg6 : memref<8x4096xf32, #tpu.memory_space<vmem>>) target(%dma_start3A_123 : memref<8x4096xf32, #tpu.memory_space<hbm>>) target_semaphore(%arg10 : memref<!tpu.dma_semaphore, #tpu.memory_space<semaphore_mem>>)
    %dma_wait3A_124 = arith.constant 0 : i32
    %dma_wait3A_125 = tpu.memref_slice %arg4[%add3A_119, %dma_wait3A_124] : memref<4096x4096xf32, #tpu.memory_space<hbm>> -> memref<8x4096xf32, #tpu.memory_space<hbm>>
    %dma_wait3A_126 = arith.constant 0 : i32
    %dma_wait3A_127 = tpu.memref_slice %arg4[%add3A_119, %dma_wait3A_126] : memref<4096x4096xf32, #tpu.memory_space<hbm>> -> memref<8x4096xf32, #tpu.memory_space<hbm>>
    tpu.wait_dma2 semaphore(%arg10 : memref<!tpu.dma_semaphore, #tpu.memory_space<semaphore_mem>>) src(%arg6 : memref<8x4096xf32, #tpu.memory_space<vmem>>) dst(%dma_wait3A_127 : memref<8x4096xf32, #tpu.memory_space<hbm>>)
    %dma_start3A_128 = arith.constant 6 : i32
    %dma_start3A_129 = arith.constant 0 : i32
    %dma_start3A_130 = tpu.memref_slice %arg5[%dma_start3A_128, %dma_start3A_129] : memref<16x8xi32, #tpu.memory_space<vmem>> -> memref<1x8xi32, #tpu.memory_space<vmem>>
    %dma_start3A_131 = tpu.memref_squeeze %dma_start3A_130 : memref<1x8xi32, #tpu.memory_space<vmem>> -> memref<8xi32, #tpu.memory_space<vmem>>
    %dma_start3A_132 = arith.constant 0 : i32
    %dma_start3A_133 = arith.constant 0 : i32
    %dma_start3A_134 = tpu.memref_slice %arg3[%dma_start3A_132, %dma_start3A_133] : memref<8193x4096xf32, #tpu.memory_space<hbm>> -> memref<8193x4096xf32, #tpu.memory_space<hbm>>
    tpu.enqueue_indirect_dma source(%dma_start3A_134 : memref<8193x4096xf32, #tpu.memory_space<hbm>>) target(%arg6 : memref<8x4096xf32, #tpu.memory_space<vmem>>) offsets(%dma_start3A_131 : memref<8xi32, #tpu.memory_space<vmem>>) semaphore(%arg8 : memref<!tpu.dma_semaphore, #tpu.memory_space<semaphore_mem>>)
    %dma_wait3A_135 = arith.constant 5 : i32
    %dma_wait3A_136 = arith.constant 0 : i32
    %dma_wait3A_137 = tpu.memref_slice %arg5[%dma_wait3A_135, %dma_wait3A_136] : memref<16x8xi32, #tpu.memory_space<vmem>> -> memref<1x8xi32, #tpu.memory_space<vmem>>
    %dma_wait3A_138 = tpu.memref_squeeze %dma_wait3A_137 : memref<1x8xi32, #tpu.memory_space<vmem>> -> memref<8xi32, #tpu.memory_space<vmem>>
    %dma_wait3A_139 = arith.constant 0 : i32
    %dma_wait3A_140 = arith.constant 0 : i32
    %dma_wait3A_141 = tpu.memref_slice %arg3[%dma_wait3A_139, %dma_wait3A_140] : memref<8193x4096xf32, #tpu.memory_space<hbm>> -> memref<8193x4096xf32, #tpu.memory_space<hbm>>
    tpu.wait_indirect_dma semaphore(%arg9 : memref<!tpu.dma_semaphore, #tpu.memory_space<semaphore_mem>>) src(%dma_wait3A_141 : memref<8193x4096xf32, #tpu.memory_space<hbm>>) dst(%arg7 : memref<8x4096xf32, #tpu.memory_space<vmem>>)
    %add3A_142 = arith.constant 40 : i32
    %add3A_143 = arith.addi %mul3A_2, %add3A_142 : i32
    %dma_start3A_144 = arith.constant 0 : i32
    %dma_start3A_145 = tpu.memref_slice %arg4[%add3A_143, %dma_start3A_144] : memref<4096x4096xf32, #tpu.memory_space<hbm>> -> memref<8x4096xf32, #tpu.memory_space<hbm>>
    %dma_start3A_146 = arith.constant 0 : i32
    %dma_start3A_147 = tpu.memref_slice %arg4[%add3A_143, %dma_start3A_146] : memref<4096x4096xf32, #tpu.memory_space<hbm>> -> memref<8x4096xf32, #tpu.memory_space<hbm>>
    tpu.enqueue_dma source(%arg7 : memref<8x4096xf32, #tpu.memory_space<vmem>>) target(%dma_start3A_147 : memref<8x4096xf32, #tpu.memory_space<hbm>>) target_semaphore(%arg11 : memref<!tpu.dma_semaphore, #tpu.memory_space<semaphore_mem>>)
    %dma_wait3A_148 = arith.constant 0 : i32
    %dma_wait3A_149 = tpu.memref_slice %arg4[%add3A_143, %dma_wait3A_148] : memref<4096x4096xf32, #tpu.memory_space<hbm>> -> memref<8x4096xf32, #tpu.memory_space<hbm>>
    %dma_wait3A_150 = arith.constant 0 : i32
    %dma_wait3A_151 = tpu.memref_slice %arg4[%add3A_143, %dma_wait3A_150] : memref<4096x4096xf32, #tpu.memory_space<hbm>> -> memref<8x4096xf32, #tpu.memory_space<hbm>>
    tpu.wait_dma2 semaphore(%arg11 : memref<!tpu.dma_semaphore, #tpu.memory_space<semaphore_mem>>) src(%arg7 : memref<8x4096xf32, #tpu.memory_space<vmem>>) dst(%dma_wait3A_151 : memref<8x4096xf32, #tpu.memory_space<hbm>>)
    %dma_start3A_152 = arith.constant 7 : i32
    %dma_start3A_153 = arith.constant 0 : i32
    %dma_start3A_154 = tpu.memref_slice %arg5[%dma_start3A_152, %dma_start3A_153] : memref<16x8xi32, #tpu.memory_space<vmem>> -> memref<1x8xi32, #tpu.memory_space<vmem>>
    %dma_start3A_155 = tpu.memref_squeeze %dma_start3A_154 : memref<1x8xi32, #tpu.memory_space<vmem>> -> memref<8xi32, #tpu.memory_space<vmem>>
    %dma_start3A_156 = arith.constant 0 : i32
    %dma_start3A_157 = arith.constant 0 : i32
    %dma_start3A_158 = tpu.memref_slice %arg3[%dma_start3A_156, %dma_start3A_157] : memref<8193x4096xf32, #tpu.memory_space<hbm>> -> memref<8193x4096xf32, #tpu.memory_space<hbm>>
    tpu.enqueue_indirect_dma source(%dma_start3A_158 : memref<8193x4096xf32, #tpu.memory_space<hbm>>) target(%arg7 : memref<8x4096xf32, #tpu.memory_space<vmem>>) offsets(%dma_start3A_155 : memref<8xi32, #tpu.memory_space<vmem>>) semaphore(%arg9 : memref<!tpu.dma_semaphore, #tpu.memory_space<semaphore_mem>>)
    %dma_wait3A_159 = arith.constant 6 : i32
    %dma_wait3A_160 = arith.constant 0 : i32
    %dma_wait3A_161 = tpu.memref_slice %arg5[%dma_wait3A_159, %dma_wait3A_160] : memref<16x8xi32, #tpu.memory_space<vmem>> -> memref<1x8xi32, #tpu.memory_space<vmem>>
    %dma_wait3A_162 = tpu.memref_squeeze %dma_wait3A_161 : memref<1x8xi32, #tpu.memory_space<vmem>> -> memref<8xi32, #tpu.memory_space<vmem>>
    %dma_wait3A_163 = arith.constant 0 : i32
    %dma_wait3A_164 = arith.constant 0 : i32
    %dma_wait3A_165 = tpu.memref_slice %arg3[%dma_wait3A_163, %dma_wait3A_164] : memref<8193x4096xf32, #tpu.memory_space<hbm>> -> memref<8193x4096xf32, #tpu.memory_space<hbm>>
    tpu.wait_indirect_dma semaphore(%arg8 : memref<!tpu.dma_semaphore, #tpu.memory_space<semaphore_mem>>) src(%dma_wait3A_165 : memref<8193x4096xf32, #tpu.memory_space<hbm>>) dst(%arg6 : memref<8x4096xf32, #tpu.memory_space<vmem>>)
    %add3A_166 = arith.constant 48 : i32
    %add3A_167 = arith.addi %mul3A_2, %add3A_166 : i32
    %dma_start3A_168 = arith.constant 0 : i32
    %dma_start3A_169 = tpu.memref_slice %arg4[%add3A_167, %dma_start3A_168] : memref<4096x4096xf32, #tpu.memory_space<hbm>> -> memref<8x4096xf32, #tpu.memory_space<hbm>>
    %dma_start3A_170 = arith.constant 0 : i32
    %dma_start3A_171 = tpu.memref_slice %arg4[%add3A_167, %dma_start3A_170] : memref<4096x4096xf32, #tpu.memory_space<hbm>> -> memref<8x4096xf32, #tpu.memory_space<hbm>>
    tpu.enqueue_dma source(%arg6 : memref<8x4096xf32, #tpu.memory_space<vmem>>) target(%dma_start3A_171 : memref<8x4096xf32, #tpu.memory_space<hbm>>) target_semaphore(%arg10 : memref<!tpu.dma_semaphore, #tpu.memory_space<semaphore_mem>>)
    %dma_wait3A_172 = arith.constant 0 : i32
    %dma_wait3A_173 = tpu.memref_slice %arg4[%add3A_167, %dma_wait3A_172] : memref<4096x4096xf32, #tpu.memory_space<hbm>> -> memref<8x4096xf32, #tpu.memory_space<hbm>>
    %dma_wait3A_174 = arith.constant 0 : i32
    %dma_wait3A_175 = tpu.memref_slice %arg4[%add3A_167, %dma_wait3A_174] : memref<4096x4096xf32, #tpu.memory_space<hbm>> -> memref<8x4096xf32, #tpu.memory_space<hbm>>
    tpu.wait_dma2 semaphore(%arg10 : memref<!tpu.dma_semaphore, #tpu.memory_space<semaphore_mem>>) src(%arg6 : memref<8x4096xf32, #tpu.memory_space<vmem>>) dst(%dma_wait3A_175 : memref<8x4096xf32, #tpu.memory_space<hbm>>)
    %dma_start3A_176 = arith.constant 8 : i32
    %dma_start3A_177 = arith.constant 0 : i32
    %dma_start3A_178 = tpu.memref_slice %arg5[%dma_start3A_176, %dma_start3A_177] : memref<16x8xi32, #tpu.memory_space<vmem>> -> memref<1x8xi32, #tpu.memory_space<vmem>>
    %dma_start3A_179 = tpu.memref_squeeze %dma_start3A_178 : memref<1x8xi32, #tpu.memory_space<vmem>> -> memref<8xi32, #tpu.memory_space<vmem>>
    %dma_start3A_180 = arith.constant 0 : i32
    %dma_start3A_181 = arith.constant 0 : i32
    %dma_start3A_182 = tpu.memref_slice %arg3[%dma_start3A_180, %dma_start3A_181] : memref<8193x4096xf32, #tpu.memory_space<hbm>> -> memref<8193x4096xf32, #tpu.memory_space<hbm>>
    tpu.enqueue_indirect_dma source(%dma_start3A_182 : memref<8193x4096xf32, #tpu.memory_space<hbm>>) target(%arg6 : memref<8x4096xf32, #tpu.memory_space<vmem>>) offsets(%dma_start3A_179 : memref<8xi32, #tpu.memory_space<vmem>>) semaphore(%arg8 : memref<!tpu.dma_semaphore, #tpu.memory_space<semaphore_mem>>)
    %dma_wait3A_183 = arith.constant 7 : i32
    %dma_wait3A_184 = arith.constant 0 : i32
    %dma_wait3A_185 = tpu.memref_slice %arg5[%dma_wait3A_183, %dma_wait3A_184] : memref<16x8xi32, #tpu.memory_space<vmem>> -> memref<1x8xi32, #tpu.memory_space<vmem>>
    %dma_wait3A_186 = tpu.memref_squeeze %dma_wait3A_185 : memref<1x8xi32, #tpu.memory_space<vmem>> -> memref<8xi32, #tpu.memory_space<vmem>>
    %dma_wait3A_187 = arith.constant 0 : i32
    %dma_wait3A_188 = arith.constant 0 : i32
    %dma_wait3A_189 = tpu.memref_slice %arg3[%dma_wait3A_187, %dma_wait3A_188] : memref<8193x4096xf32, #tpu.memory_space<hbm>> -> memref<8193x4096xf32, #tpu.memory_space<hbm>>
    tpu.wait_indirect_dma semaphore(%arg9 : memref<!tpu.dma_semaphore, #tpu.memory_space<semaphore_mem>>) src(%dma_wait3A_189 : memref<8193x4096xf32, #tpu.memory_space<hbm>>) dst(%arg7 : memref<8x4096xf32, #tpu.memory_space<vmem>>)
    %add3A_190 = arith.constant 56 : i32
    %add3A_191 = arith.addi %mul3A_2, %add3A_190 : i32
    %dma_start3A_192 = arith.constant 0 : i32
    %dma_start3A_193 = tpu.memref_slice %arg4[%add3A_191, %dma_start3A_192] : memref<4096x4096xf32, #tpu.memory_space<hbm>> -> memref<8x4096xf32, #tpu.memory_space<hbm>>
    %dma_start3A_194 = arith.constant 0 : i32
    %dma_start3A_195 = tpu.memref_slice %arg4[%add3A_191, %dma_start3A_194] : memref<4096x4096xf32, #tpu.memory_space<hbm>> -> memref<8x4096xf32, #tpu.memory_space<hbm>>
    tpu.enqueue_dma source(%arg7 : memref<8x4096xf32, #tpu.memory_space<vmem>>) target(%dma_start3A_195 : memref<8x4096xf32, #tpu.memory_space<hbm>>) target_semaphore(%arg11 : memref<!tpu.dma_semaphore, #tpu.memory_space<semaphore_mem>>)
    %dma_wait3A_196 = arith.constant 0 : i32
    %dma_wait3A_197 = tpu.memref_slice %arg4[%add3A_191, %dma_wait3A_196] : memref<4096x4096xf32, #tpu.memory_space<hbm>> -> memref<8x4096xf32, #tpu.memory_space<hbm>>
    %dma_wait3A_198 = arith.constant 0 : i32
    %dma_wait3A_199 = tpu.memref_slice %arg4[%add3A_191, %dma_wait3A_198] : memref<4096x4096xf32, #tpu.memory_space<hbm>> -> memref<8x4096xf32, #tpu.memory_space<hbm>>
    tpu.wait_dma2 semaphore(%arg11 : memref<!tpu.dma_semaphore, #tpu.memory_space<semaphore_mem>>) src(%arg7 : memref<8x4096xf32, #tpu.memory_space<vmem>>) dst(%dma_wait3A_199 : memref<8x4096xf32, #tpu.memory_space<hbm>>)
    %dma_start3A_200 = arith.constant 9 : i32
    %dma_start3A_201 = arith.constant 0 : i32
    %dma_start3A_202 = tpu.memref_slice %arg5[%dma_start3A_200, %dma_start3A_201] : memref<16x8xi32, #tpu.memory_space<vmem>> -> memref<1x8xi32, #tpu.memory_space<vmem>>
    %dma_start3A_203 = tpu.memref_squeeze %dma_start3A_202 : memref<1x8xi32, #tpu.memory_space<vmem>> -> memref<8xi32, #tpu.memory_space<vmem>>
    %dma_start3A_204 = arith.constant 0 : i32
    %dma_start3A_205 = arith.constant 0 : i32
    %dma_start3A_206 = tpu.memref_slice %arg3[%dma_start3A_204, %dma_start3A_205] : memref<8193x4096xf32, #tpu.memory_space<hbm>> -> memref<8193x4096xf32, #tpu.memory_space<hbm>>
    tpu.enqueue_indirect_dma source(%dma_start3A_206 : memref<8193x4096xf32, #tpu.memory_space<hbm>>) target(%arg7 : memref<8x4096xf32, #tpu.memory_space<vmem>>) offsets(%dma_start3A_203 : memref<8xi32, #tpu.memory_space<vmem>>) semaphore(%arg9 : memref<!tpu.dma_semaphore, #tpu.memory_space<semaphore_mem>>)
    %dma_wait3A_207 = arith.constant 8 : i32
    %dma_wait3A_208 = arith.constant 0 : i32
    %dma_wait3A_209 = tpu.memref_slice %arg5[%dma_wait3A_207, %dma_wait3A_208] : memref<16x8xi32, #tpu.memory_space<vmem>> -> memref<1x8xi32, #tpu.memory_space<vmem>>
    %dma_wait3A_210 = tpu.memref_squeeze %dma_wait3A_209 : memref<1x8xi32, #tpu.memory_space<vmem>> -> memref<8xi32, #tpu.memory_space<vmem>>
    %dma_wait3A_211 = arith.constant 0 : i32
    %dma_wait3A_212 = arith.constant 0 : i32
    %dma_wait3A_213 = tpu.memref_slice %arg3[%dma_wait3A_211, %dma_wait3A_212] : memref<8193x4096xf32, #tpu.memory_space<hbm>> -> memref<8193x4096xf32, #tpu.memory_space<hbm>>
    tpu.wait_indirect_dma semaphore(%arg8 : memref<!tpu.dma_semaphore, #tpu.memory_space<semaphore_mem>>) src(%dma_wait3A_213 : memref<8193x4096xf32, #tpu.memory_space<hbm>>) dst(%arg6 : memref<8x4096xf32, #tpu.memory_space<vmem>>)
    %add3A_214 = arith.constant 64 : i32
    %add3A_215 = arith.addi %mul3A_2, %add3A_214 : i32
    %dma_start3A_216 = arith.constant 0 : i32
    %dma_start3A_217 = tpu.memref_slice %arg4[%add3A_215, %dma_start3A_216] : memref<4096x4096xf32, #tpu.memory_space<hbm>> -> memref<8x4096xf32, #tpu.memory_space<hbm>>
    %dma_start3A_218 = arith.constant 0 : i32
    %dma_start3A_219 = tpu.memref_slice %arg4[%add3A_215, %dma_start3A_218] : memref<4096x4096xf32, #tpu.memory_space<hbm>> -> memref<8x4096xf32, #tpu.memory_space<hbm>>
    tpu.enqueue_dma source(%arg6 : memref<8x4096xf32, #tpu.memory_space<vmem>>) target(%dma_start3A_219 : memref<8x4096xf32, #tpu.memory_space<hbm>>) target_semaphore(%arg10 : memref<!tpu.dma_semaphore, #tpu.memory_space<semaphore_mem>>)
    %dma_wait3A_220 = arith.constant 0 : i32
    %dma_wait3A_221 = tpu.memref_slice %arg4[%add3A_215, %dma_wait3A_220] : memref<4096x4096xf32, #tpu.memory_space<hbm>> -> memref<8x4096xf32, #tpu.memory_space<hbm>>
    %dma_wait3A_222 = arith.constant 0 : i32
    %dma_wait3A_223 = tpu.memref_slice %arg4[%add3A_215, %dma_wait3A_222] : memref<4096x4096xf32, #tpu.memory_space<hbm>> -> memref<8x4096xf32, #tpu.memory_space<hbm>>
    tpu.wait_dma2 semaphore(%arg10 : memref<!tpu.dma_semaphore, #tpu.memory_space<semaphore_mem>>) src(%arg6 : memref<8x4096xf32, #tpu.memory_space<vmem>>) dst(%dma_wait3A_223 : memref<8x4096xf32, #tpu.memory_space<hbm>>)
    %dma_start3A_224 = arith.constant 10 : i32
    %dma_start3A_225 = arith.constant 0 : i32
    %dma_start3A_226 = tpu.memref_slice %arg5[%dma_start3A_224, %dma_start3A_225] : memref<16x8xi32, #tpu.memory_space<vmem>> -> memref<1x8xi32, #tpu.memory_space<vmem>>
    %dma_start3A_227 = tpu.memref_squeeze %dma_start3A_226 : memref<1x8xi32, #tpu.memory_space<vmem>> -> memref<8xi32, #tpu.memory_space<vmem>>
    %dma_start3A_228 = arith.constant 0 : i32
    %dma_start3A_229 = arith.constant 0 : i32
    %dma_start3A_230 = tpu.memref_slice %arg3[%dma_start3A_228, %dma_start3A_229] : memref<8193x4096xf32, #tpu.memory_space<hbm>> -> memref<8193x4096xf32, #tpu.memory_space<hbm>>
    tpu.enqueue_indirect_dma source(%dma_start3A_230 : memref<8193x4096xf32, #tpu.memory_space<hbm>>) target(%arg6 : memref<8x4096xf32, #tpu.memory_space<vmem>>) offsets(%dma_start3A_227 : memref<8xi32, #tpu.memory_space<vmem>>) semaphore(%arg8 : memref<!tpu.dma_semaphore, #tpu.memory_space<semaphore_mem>>)
    %dma_wait3A_231 = arith.constant 9 : i32
    %dma_wait3A_232 = arith.constant 0 : i32
    %dma_wait3A_233 = tpu.memref_slice %arg5[%dma_wait3A_231, %dma_wait3A_232] : memref<16x8xi32, #tpu.memory_space<vmem>> -> memref<1x8xi32, #tpu.memory_space<vmem>>
    %dma_wait3A_234 = tpu.memref_squeeze %dma_wait3A_233 : memref<1x8xi32, #tpu.memory_space<vmem>> -> memref<8xi32, #tpu.memory_space<vmem>>
    %dma_wait3A_235 = arith.constant 0 : i32
    %dma_wait3A_236 = arith.constant 0 : i32
    %dma_wait3A_237 = tpu.memref_slice %arg3[%dma_wait3A_235, %dma_wait3A_236] : memref<8193x4096xf32, #tpu.memory_space<hbm>> -> memref<8193x4096xf32, #tpu.memory_space<hbm>>
    tpu.wait_indirect_dma semaphore(%arg9 : memref<!tpu.dma_semaphore, #tpu.memory_space<semaphore_mem>>) src(%dma_wait3A_237 : memref<8193x4096xf32, #tpu.memory_space<hbm>>) dst(%arg7 : memref<8x4096xf32, #tpu.memory_space<vmem>>)
    %add3A_238 = arith.constant 72 : i32
    %add3A_239 = arith.addi %mul3A_2, %add3A_238 : i32
    %dma_start3A_240 = arith.constant 0 : i32
    %dma_start3A_241 = tpu.memref_slice %arg4[%add3A_239, %dma_start3A_240] : memref<4096x4096xf32, #tpu.memory_space<hbm>> -> memref<8x4096xf32, #tpu.memory_space<hbm>>
    %dma_start3A_242 = arith.constant 0 : i32
    %dma_start3A_243 = tpu.memref_slice %arg4[%add3A_239, %dma_start3A_242] : memref<4096x4096xf32, #tpu.memory_space<hbm>> -> memref<8x4096xf32, #tpu.memory_space<hbm>>
    tpu.enqueue_dma source(%arg7 : memref<8x4096xf32, #tpu.memory_space<vmem>>) target(%dma_start3A_243 : memref<8x4096xf32, #tpu.memory_space<hbm>>) target_semaphore(%arg11 : memref<!tpu.dma_semaphore, #tpu.memory_space<semaphore_mem>>)
    %dma_wait3A_244 = arith.constant 0 : i32
    %dma_wait3A_245 = tpu.memref_slice %arg4[%add3A_239, %dma_wait3A_244] : memref<4096x4096xf32, #tpu.memory_space<hbm>> -> memref<8x4096xf32, #tpu.memory_space<hbm>>
    %dma_wait3A_246 = arith.constant 0 : i32
    %dma_wait3A_247 = tpu.memref_slice %arg4[%add3A_239, %dma_wait3A_246] : memref<4096x4096xf32, #tpu.memory_space<hbm>> -> memref<8x4096xf32, #tpu.memory_space<hbm>>
    tpu.wait_dma2 semaphore(%arg11 : memref<!tpu.dma_semaphore, #tpu.memory_space<semaphore_mem>>) src(%arg7 : memref<8x4096xf32, #tpu.memory_space<vmem>>) dst(%dma_wait3A_247 : memref<8x4096xf32, #tpu.memory_space<hbm>>)
    %dma_start3A_248 = arith.constant 11 : i32
    %dma_start3A_249 = arith.constant 0 : i32
    %dma_start3A_250 = tpu.memref_slice %arg5[%dma_start3A_248, %dma_start3A_249] : memref<16x8xi32, #tpu.memory_space<vmem>> -> memref<1x8xi32, #tpu.memory_space<vmem>>
    %dma_start3A_251 = tpu.memref_squeeze %dma_start3A_250 : memref<1x8xi32, #tpu.memory_space<vmem>> -> memref<8xi32, #tpu.memory_space<vmem>>
    %dma_start3A_252 = arith.constant 0 : i32
    %dma_start3A_253 = arith.constant 0 : i32
    %dma_start3A_254 = tpu.memref_slice %arg3[%dma_start3A_252, %dma_start3A_253] : memref<8193x4096xf32, #tpu.memory_space<hbm>> -> memref<8193x4096xf32, #tpu.memory_space<hbm>>
    tpu.enqueue_indirect_dma source(%dma_start3A_254 : memref<8193x4096xf32, #tpu.memory_space<hbm>>) target(%arg7 : memref<8x4096xf32, #tpu.memory_space<vmem>>) offsets(%dma_start3A_251 : memref<8xi32, #tpu.memory_space<vmem>>) semaphore(%arg9 : memref<!tpu.dma_semaphore, #tpu.memory_space<semaphore_mem>>)
    %dma_wait3A_255 = arith.constant 10 : i32
    %dma_wait3A_256 = arith.constant 0 : i32
    %dma_wait3A_257 = tpu.memref_slice %arg5[%dma_wait3A_255, %dma_wait3A_256] : memref<16x8xi32, #tpu.memory_space<vmem>> -> memref<1x8xi32, #tpu.memory_space<vmem>>
    %dma_wait3A_258 = tpu.memref_squeeze %dma_wait3A_257 : memref<1x8xi32, #tpu.memory_space<vmem>> -> memref<8xi32, #tpu.memory_space<vmem>>
    %dma_wait3A_259 = arith.constant 0 : i32
    %dma_wait3A_260 = arith.constant 0 : i32
    %dma_wait3A_261 = tpu.memref_slice %arg3[%dma_wait3A_259, %dma_wait3A_260] : memref<8193x4096xf32, #tpu.memory_space<hbm>> -> memref<8193x4096xf32, #tpu.memory_space<hbm>>
    tpu.wait_indirect_dma semaphore(%arg8 : memref<!tpu.dma_semaphore, #tpu.memory_space<semaphore_mem>>) src(%dma_wait3A_261 : memref<8193x4096xf32, #tpu.memory_space<hbm>>) dst(%arg6 : memref<8x4096xf32, #tpu.memory_space<vmem>>)
    %add3A_262 = arith.constant 80 : i32
    %add3A_263 = arith.addi %mul3A_2, %add3A_262 : i32
    %dma_start3A_264 = arith.constant 0 : i32
    %dma_start3A_265 = tpu.memref_slice %arg4[%add3A_263, %dma_start3A_264] : memref<4096x4096xf32, #tpu.memory_space<hbm>> -> memref<8x4096xf32, #tpu.memory_space<hbm>>
    %dma_start3A_266 = arith.constant 0 : i32
    %dma_start3A_267 = tpu.memref_slice %arg4[%add3A_263, %dma_start3A_266] : memref<4096x4096xf32, #tpu.memory_space<hbm>> -> memref<8x4096xf32, #tpu.memory_space<hbm>>
    tpu.enqueue_dma source(%arg6 : memref<8x4096xf32, #tpu.memory_space<vmem>>) target(%dma_start3A_267 : memref<8x4096xf32, #tpu.memory_space<hbm>>) target_semaphore(%arg10 : memref<!tpu.dma_semaphore, #tpu.memory_space<semaphore_mem>>)
    %dma_wait3A_268 = arith.constant 0 : i32
    %dma_wait3A_269 = tpu.memref_slice %arg4[%add3A_263, %dma_wait3A_268] : memref<4096x4096xf32, #tpu.memory_space<hbm>> -> memref<8x4096xf32, #tpu.memory_space<hbm>>
    %dma_wait3A_270 = arith.constant 0 : i32
    %dma_wait3A_271 = tpu.memref_slice %arg4[%add3A_263, %dma_wait3A_270] : memref<4096x4096xf32, #tpu.memory_space<hbm>> -> memref<8x4096xf32, #tpu.memory_space<hbm>>
    tpu.wait_dma2 semaphore(%arg10 : memref<!tpu.dma_semaphore, #tpu.memory_space<semaphore_mem>>) src(%arg6 : memref<8x4096xf32, #tpu.memory_space<vmem>>) dst(%dma_wait3A_271 : memref<8x4096xf32, #tpu.memory_space<hbm>>)
    %dma_start3A_272 = arith.constant 12 : i32
    %dma_start3A_273 = arith.constant 0 : i32
    %dma_start3A_274 = tpu.memref_slice %arg5[%dma_start3A_272, %dma_start3A_273] : memref<16x8xi32, #tpu.memory_space<vmem>> -> memref<1x8xi32, #tpu.memory_space<vmem>>
    %dma_start3A_275 = tpu.memref_squeeze %dma_start3A_274 : memref<1x8xi32, #tpu.memory_space<vmem>> -> memref<8xi32, #tpu.memory_space<vmem>>
    %dma_start3A_276 = arith.constant 0 : i32
    %dma_start3A_277 = arith.constant 0 : i32
    %dma_start3A_278 = tpu.memref_slice %arg3[%dma_start3A_276, %dma_start3A_277] : memref<8193x4096xf32, #tpu.memory_space<hbm>> -> memref<8193x4096xf32, #tpu.memory_space<hbm>>
    tpu.enqueue_indirect_dma source(%dma_start3A_278 : memref<8193x4096xf32, #tpu.memory_space<hbm>>) target(%arg6 : memref<8x4096xf32, #tpu.memory_space<vmem>>) offsets(%dma_start3A_275 : memref<8xi32, #tpu.memory_space<vmem>>) semaphore(%arg8 : memref<!tpu.dma_semaphore, #tpu.memory_space<semaphore_mem>>)
    %dma_wait3A_279 = arith.constant 11 : i32
    %dma_wait3A_280 = arith.constant 0 : i32
    %dma_wait3A_281 = tpu.memref_slice %arg5[%dma_wait3A_279, %dma_wait3A_280] : memref<16x8xi32, #tpu.memory_space<vmem>> -> memref<1x8xi32, #tpu.memory_space<vmem>>
    %dma_wait3A_282 = tpu.memref_squeeze %dma_wait3A_281 : memref<1x8xi32, #tpu.memory_space<vmem>> -> memref<8xi32, #tpu.memory_space<vmem>>
    %dma_wait3A_283 = arith.constant 0 : i32
    %dma_wait3A_284 = arith.constant 0 : i32
    %dma_wait3A_285 = tpu.memref_slice %arg3[%dma_wait3A_283, %dma_wait3A_284] : memref<8193x4096xf32, #tpu.memory_space<hbm>> -> memref<8193x4096xf32, #tpu.memory_space<hbm>>
    tpu.wait_indirect_dma semaphore(%arg9 : memref<!tpu.dma_semaphore, #tpu.memory_space<semaphore_mem>>) src(%dma_wait3A_285 : memref<8193x4096xf32, #tpu.memory_space<hbm>>) dst(%arg7 : memref<8x4096xf32, #tpu.memory_space<vmem>>)
    %add3A_286 = arith.constant 88 : i32
    %add3A_287 = arith.addi %mul3A_2, %add3A_286 : i32
    %dma_start3A_288 = arith.constant 0 : i32
    %dma_start3A_289 = tpu.memref_slice %arg4[%add3A_287, %dma_start3A_288] : memref<4096x4096xf32, #tpu.memory_space<hbm>> -> memref<8x4096xf32, #tpu.memory_space<hbm>>
    %dma_start3A_290 = arith.constant 0 : i32
    %dma_start3A_291 = tpu.memref_slice %arg4[%add3A_287, %dma_start3A_290] : memref<4096x4096xf32, #tpu.memory_space<hbm>> -> memref<8x4096xf32, #tpu.memory_space<hbm>>
    tpu.enqueue_dma source(%arg7 : memref<8x4096xf32, #tpu.memory_space<vmem>>) target(%dma_start3A_291 : memref<8x4096xf32, #tpu.memory_space<hbm>>) target_semaphore(%arg11 : memref<!tpu.dma_semaphore, #tpu.memory_space<semaphore_mem>>)
    %dma_wait3A_292 = arith.constant 0 : i32
    %dma_wait3A_293 = tpu.memref_slice %arg4[%add3A_287, %dma_wait3A_292] : memref<4096x4096xf32, #tpu.memory_space<hbm>> -> memref<8x4096xf32, #tpu.memory_space<hbm>>
    %dma_wait3A_294 = arith.constant 0 : i32
    %dma_wait3A_295 = tpu.memref_slice %arg4[%add3A_287, %dma_wait3A_294] : memref<4096x4096xf32, #tpu.memory_space<hbm>> -> memref<8x4096xf32, #tpu.memory_space<hbm>>
    tpu.wait_dma2 semaphore(%arg11 : memref<!tpu.dma_semaphore, #tpu.memory_space<semaphore_mem>>) src(%arg7 : memref<8x4096xf32, #tpu.memory_space<vmem>>) dst(%dma_wait3A_295 : memref<8x4096xf32, #tpu.memory_space<hbm>>)
    %dma_start3A_296 = arith.constant 13 : i32
    %dma_start3A_297 = arith.constant 0 : i32
    %dma_start3A_298 = tpu.memref_slice %arg5[%dma_start3A_296, %dma_start3A_297] : memref<16x8xi32, #tpu.memory_space<vmem>> -> memref<1x8xi32, #tpu.memory_space<vmem>>
    %dma_start3A_299 = tpu.memref_squeeze %dma_start3A_298 : memref<1x8xi32, #tpu.memory_space<vmem>> -> memref<8xi32, #tpu.memory_space<vmem>>
    %dma_start3A_300 = arith.constant 0 : i32
    %dma_start3A_301 = arith.constant 0 : i32
    %dma_start3A_302 = tpu.memref_slice %arg3[%dma_start3A_300, %dma_start3A_301] : memref<8193x4096xf32, #tpu.memory_space<hbm>> -> memref<8193x4096xf32, #tpu.memory_space<hbm>>
    tpu.enqueue_indirect_dma source(%dma_start3A_302 : memref<8193x4096xf32, #tpu.memory_space<hbm>>) target(%arg7 : memref<8x4096xf32, #tpu.memory_space<vmem>>) offsets(%dma_start3A_299 : memref<8xi32, #tpu.memory_space<vmem>>) semaphore(%arg9 : memref<!tpu.dma_semaphore, #tpu.memory_space<semaphore_mem>>)
    %dma_wait3A_303 = arith.constant 12 : i32
    %dma_wait3A_304 = arith.constant 0 : i32
    %dma_wait3A_305 = tpu.memref_slice %arg5[%dma_wait3A_303, %dma_wait3A_304] : memref<16x8xi32, #tpu.memory_space<vmem>> -> memref<1x8xi32, #tpu.memory_space<vmem>>
    %dma_wait3A_306 = tpu.memref_squeeze %dma_wait3A_305 : memref<1x8xi32, #tpu.memory_space<vmem>> -> memref<8xi32, #tpu.memory_space<vmem>>
    %dma_wait3A_307 = arith.constant 0 : i32
    %dma_wait3A_308 = arith.constant 0 : i32
    %dma_wait3A_309 = tpu.memref_slice %arg3[%dma_wait3A_307, %dma_wait3A_308] : memref<8193x4096xf32, #tpu.memory_space<hbm>> -> memref<8193x4096xf32, #tpu.memory_space<hbm>>
    tpu.wait_indirect_dma semaphore(%arg8 : memref<!tpu.dma_semaphore, #tpu.memory_space<semaphore_mem>>) src(%dma_wait3A_309 : memref<8193x4096xf32, #tpu.memory_space<hbm>>) dst(%arg6 : memref<8x4096xf32, #tpu.memory_space<vmem>>)
    %add3A_310 = arith.constant 96 : i32
    %add3A_311 = arith.addi %mul3A_2, %add3A_310 : i32
    %dma_start3A_312 = arith.constant 0 : i32
    %dma_start3A_313 = tpu.memref_slice %arg4[%add3A_311, %dma_start3A_312] : memref<4096x4096xf32, #tpu.memory_space<hbm>> -> memref<8x4096xf32, #tpu.memory_space<hbm>>
    %dma_start3A_314 = arith.constant 0 : i32
    %dma_start3A_315 = tpu.memref_slice %arg4[%add3A_311, %dma_start3A_314] : memref<4096x4096xf32, #tpu.memory_space<hbm>> -> memref<8x4096xf32, #tpu.memory_space<hbm>>
    tpu.enqueue_dma source(%arg6 : memref<8x4096xf32, #tpu.memory_space<vmem>>) target(%dma_start3A_315 : memref<8x4096xf32, #tpu.memory_space<hbm>>) target_semaphore(%arg10 : memref<!tpu.dma_semaphore, #tpu.memory_space<semaphore_mem>>)
    %dma_wait3A_316 = arith.constant 0 : i32
    %dma_wait3A_317 = tpu.memref_slice %arg4[%add3A_311, %dma_wait3A_316] : memref<4096x4096xf32, #tpu.memory_space<hbm>> -> memref<8x4096xf32, #tpu.memory_space<hbm>>
    %dma_wait3A_318 = arith.constant 0 : i32
    %dma_wait3A_319 = tpu.memref_slice %arg4[%add3A_311, %dma_wait3A_318] : memref<4096x4096xf32, #tpu.memory_space<hbm>> -> memref<8x4096xf32, #tpu.memory_space<hbm>>
    tpu.wait_dma2 semaphore(%arg10 : memref<!tpu.dma_semaphore, #tpu.memory_space<semaphore_mem>>) src(%arg6 : memref<8x4096xf32, #tpu.memory_space<vmem>>) dst(%dma_wait3A_319 : memref<8x4096xf32, #tpu.memory_space<hbm>>)
    %dma_start3A_320 = arith.constant 14 : i32
    %dma_start3A_321 = arith.constant 0 : i32
    %dma_start3A_322 = tpu.memref_slice %arg5[%dma_start3A_320, %dma_start3A_321] : memref<16x8xi32, #tpu.memory_space<vmem>> -> memref<1x8xi32, #tpu.memory_space<vmem>>
    %dma_start3A_323 = tpu.memref_squeeze %dma_start3A_322 : memref<1x8xi32, #tpu.memory_space<vmem>> -> memref<8xi32, #tpu.memory_space<vmem>>
    %dma_start3A_324 = arith.constant 0 : i32
    %dma_start3A_325 = arith.constant 0 : i32
    %dma_start3A_326 = tpu.memref_slice %arg3[%dma_start3A_324, %dma_start3A_325] : memref<8193x4096xf32, #tpu.memory_space<hbm>> -> memref<8193x4096xf32, #tpu.memory_space<hbm>>
    tpu.enqueue_indirect_dma source(%dma_start3A_326 : memref<8193x4096xf32, #tpu.memory_space<hbm>>) target(%arg6 : memref<8x4096xf32, #tpu.memory_space<vmem>>) offsets(%dma_start3A_323 : memref<8xi32, #tpu.memory_space<vmem>>) semaphore(%arg8 : memref<!tpu.dma_semaphore, #tpu.memory_space<semaphore_mem>>)
    %dma_wait3A_327 = arith.constant 13 : i32
    %dma_wait3A_328 = arith.constant 0 : i32
    %dma_wait3A_329 = tpu.memref_slice %arg5[%dma_wait3A_327, %dma_wait3A_328] : memref<16x8xi32, #tpu.memory_space<vmem>> -> memref<1x8xi32, #tpu.memory_space<vmem>>
    %dma_wait3A_330 = tpu.memref_squeeze %dma_wait3A_329 : memref<1x8xi32, #tpu.memory_space<vmem>> -> memref<8xi32, #tpu.memory_space<vmem>>
    %dma_wait3A_331 = arith.constant 0 : i32
    %dma_wait3A_332 = arith.constant 0 : i32
    %dma_wait3A_333 = tpu.memref_slice %arg3[%dma_wait3A_331, %dma_wait3A_332] : memref<8193x4096xf32, #tpu.memory_space<hbm>> -> memref<8193x4096xf32, #tpu.memory_space<hbm>>
    tpu.wait_indirect_dma semaphore(%arg9 : memref<!tpu.dma_semaphore, #tpu.memory_space<semaphore_mem>>) src(%dma_wait3A_333 : memref<8193x4096xf32, #tpu.memory_space<hbm>>) dst(%arg7 : memref<8x4096xf32, #tpu.memory_space<vmem>>)
    %add3A_334 = arith.constant 104 : i32
    %add3A_335 = arith.addi %mul3A_2, %add3A_334 : i32
    %dma_start3A_336 = arith.constant 0 : i32
    %dma_start3A_337 = tpu.memref_slice %arg4[%add3A_335, %dma_start3A_336] : memref<4096x4096xf32, #tpu.memory_space<hbm>> -> memref<8x4096xf32, #tpu.memory_space<hbm>>
    %dma_start3A_338 = arith.constant 0 : i32
    %dma_start3A_339 = tpu.memref_slice %arg4[%add3A_335, %dma_start3A_338] : memref<4096x4096xf32, #tpu.memory_space<hbm>> -> memref<8x4096xf32, #tpu.memory_space<hbm>>
    tpu.enqueue_dma source(%arg7 : memref<8x4096xf32, #tpu.memory_space<vmem>>) target(%dma_start3A_339 : memref<8x4096xf32, #tpu.memory_space<hbm>>) target_semaphore(%arg11 : memref<!tpu.dma_semaphore, #tpu.memory_space<semaphore_mem>>)
    %dma_wait3A_340 = arith.constant 0 : i32
    %dma_wait3A_341 = tpu.memref_slice %arg4[%add3A_335, %dma_wait3A_340] : memref<4096x4096xf32, #tpu.memory_space<hbm>> -> memref<8x4096xf32, #tpu.memory_space<hbm>>
    %dma_wait3A_342 = arith.constant 0 : i32
    %dma_wait3A_343 = tpu.memref_slice %arg4[%add3A_335, %dma_wait3A_342] : memref<4096x4096xf32, #tpu.memory_space<hbm>> -> memref<8x4096xf32, #tpu.memory_space<hbm>>
    tpu.wait_dma2 semaphore(%arg11 : memref<!tpu.dma_semaphore, #tpu.memory_space<semaphore_mem>>) src(%arg7 : memref<8x4096xf32, #tpu.memory_space<vmem>>) dst(%dma_wait3A_343 : memref<8x4096xf32, #tpu.memory_space<hbm>>)
    %dma_start3A_344 = arith.constant 15 : i32
    %dma_start3A_345 = arith.constant 0 : i32
    %dma_start3A_346 = tpu.memref_slice %arg5[%dma_start3A_344, %dma_start3A_345] : memref<16x8xi32, #tpu.memory_space<vmem>> -> memref<1x8xi32, #tpu.memory_space<vmem>>
    %dma_start3A_347 = tpu.memref_squeeze %dma_start3A_346 : memref<1x8xi32, #tpu.memory_space<vmem>> -> memref<8xi32, #tpu.memory_space<vmem>>
    %dma_start3A_348 = arith.constant 0 : i32
    %dma_start3A_349 = arith.constant 0 : i32
    %dma_start3A_350 = tpu.memref_slice %arg3[%dma_start3A_348, %dma_start3A_349] : memref<8193x4096xf32, #tpu.memory_space<hbm>> -> memref<8193x4096xf32, #tpu.memory_space<hbm>>
    tpu.enqueue_indirect_dma source(%dma_start3A_350 : memref<8193x4096xf32, #tpu.memory_space<hbm>>) target(%arg7 : memref<8x4096xf32, #tpu.memory_space<vmem>>) offsets(%dma_start3A_347 : memref<8xi32, #tpu.memory_space<vmem>>) semaphore(%arg9 : memref<!tpu.dma_semaphore, #tpu.memory_space<semaphore_mem>>)
    %dma_wait3A_351 = arith.constant 14 : i32
    %dma_wait3A_352 = arith.constant 0 : i32
    %dma_wait3A_353 = tpu.memref_slice %arg5[%dma_wait3A_351, %dma_wait3A_352] : memref<16x8xi32, #tpu.memory_space<vmem>> -> memref<1x8xi32, #tpu.memory_space<vmem>>
    %dma_wait3A_354 = tpu.memref_squeeze %dma_wait3A_353 : memref<1x8xi32, #tpu.memory_space<vmem>> -> memref<8xi32, #tpu.memory_space<vmem>>
    %dma_wait3A_355 = arith.constant 0 : i32
    %dma_wait3A_356 = arith.constant 0 : i32
    %dma_wait3A_357 = tpu.memref_slice %arg3[%dma_wait3A_355, %dma_wait3A_356] : memref<8193x4096xf32, #tpu.memory_space<hbm>> -> memref<8193x4096xf32, #tpu.memory_space<hbm>>
    tpu.wait_indirect_dma semaphore(%arg8 : memref<!tpu.dma_semaphore, #tpu.memory_space<semaphore_mem>>) src(%dma_wait3A_357 : memref<8193x4096xf32, #tpu.memory_space<hbm>>) dst(%arg6 : memref<8x4096xf32, #tpu.memory_space<vmem>>)
    %add3A_358 = arith.constant 112 : i32
    %add3A_359 = arith.addi %mul3A_2, %add3A_358 : i32
    %dma_start3A_360 = arith.constant 0 : i32
    %dma_start3A_361 = tpu.memref_slice %arg4[%add3A_359, %dma_start3A_360] : memref<4096x4096xf32, #tpu.memory_space<hbm>> -> memref<8x4096xf32, #tpu.memory_space<hbm>>
    %dma_start3A_362 = arith.constant 0 : i32
    %dma_start3A_363 = tpu.memref_slice %arg4[%add3A_359, %dma_start3A_362] : memref<4096x4096xf32, #tpu.memory_space<hbm>> -> memref<8x4096xf32, #tpu.memory_space<hbm>>
    tpu.enqueue_dma source(%arg6 : memref<8x4096xf32, #tpu.memory_space<vmem>>) target(%dma_start3A_363 : memref<8x4096xf32, #tpu.memory_space<hbm>>) target_semaphore(%arg10 : memref<!tpu.dma_semaphore, #tpu.memory_space<semaphore_mem>>)
    %dma_wait3A_364 = arith.constant 15 : i32
    %dma_wait3A_365 = arith.constant 0 : i32
    %dma_wait3A_366 = tpu.memref_slice %arg5[%dma_wait3A_364, %dma_wait3A_365] : memref<16x8xi32, #tpu.memory_space<vmem>> -> memref<1x8xi32, #tpu.memory_space<vmem>>
    %dma_wait3A_367 = tpu.memref_squeeze %dma_wait3A_366 : memref<1x8xi32, #tpu.memory_space<vmem>> -> memref<8xi32, #tpu.memory_space<vmem>>
    %dma_wait3A_368 = arith.constant 0 : i32
    %dma_wait3A_369 = arith.constant 0 : i32
    %dma_wait3A_370 = tpu.memref_slice %arg3[%dma_wait3A_368, %dma_wait3A_369] : memref<8193x4096xf32, #tpu.memory_space<hbm>> -> memref<8193x4096xf32, #tpu.memory_space<hbm>>
    tpu.wait_indirect_dma semaphore(%arg9 : memref<!tpu.dma_semaphore, #tpu.memory_space<semaphore_mem>>) src(%dma_wait3A_370 : memref<8193x4096xf32, #tpu.memory_space<hbm>>) dst(%arg7 : memref<8x4096xf32, #tpu.memory_space<vmem>>)
    %add3A_371 = arith.constant 120 : i32
    %add3A_372 = arith.addi %mul3A_2, %add3A_371 : i32
    %dma_start3A_373 = arith.constant 0 : i32
    %dma_start3A_374 = tpu.memref_slice %arg4[%add3A_372, %dma_start3A_373] : memref<4096x4096xf32, #tpu.memory_space<hbm>> -> memref<8x4096xf32, #tpu.memory_space<hbm>>
    %dma_start3A_375 = arith.constant 0 : i32
    %dma_start3A_376 = tpu.memref_slice %arg4[%add3A_372, %dma_start3A_375] : memref<4096x4096xf32, #tpu.memory_space<hbm>> -> memref<8x4096xf32, #tpu.memory_space<hbm>>
    tpu.enqueue_dma source(%arg7 : memref<8x4096xf32, #tpu.memory_space<vmem>>) target(%dma_start3A_376 : memref<8x4096xf32, #tpu.memory_space<hbm>>) target_semaphore(%arg11 : memref<!tpu.dma_semaphore, #tpu.memory_space<semaphore_mem>>)
    %dma_wait3A_377 = arith.constant 0 : i32
    %dma_wait3A_378 = tpu.memref_slice %arg4[%add3A_359, %dma_wait3A_377] : memref<4096x4096xf32, #tpu.memory_space<hbm>> -> memref<8x4096xf32, #tpu.memory_space<hbm>>
    %dma_wait3A_379 = arith.constant 0 : i32
    %dma_wait3A_380 = tpu.memref_slice %arg4[%add3A_359, %dma_wait3A_379] : memref<4096x4096xf32, #tpu.memory_space<hbm>> -> memref<8x4096xf32, #tpu.memory_space<hbm>>
    tpu.wait_dma2 semaphore(%arg10 : memref<!tpu.dma_semaphore, #tpu.memory_space<semaphore_mem>>) src(%arg6 : memref<8x4096xf32, #tpu.memory_space<vmem>>) dst(%dma_wait3A_380 : memref<8x4096xf32, #tpu.memory_space<hbm>>)
    %dma_wait3A_381 = arith.constant 0 : i32
    %dma_wait3A_382 = tpu.memref_slice %arg4[%add3A_372, %dma_wait3A_381] : memref<4096x4096xf32, #tpu.memory_space<hbm>> -> memref<8x4096xf32, #tpu.memory_space<hbm>>
    %dma_wait3A_383 = arith.constant 0 : i32
    %dma_wait3A_384 = tpu.memref_slice %arg4[%add3A_372, %dma_wait3A_383] : memref<4096x4096xf32, #tpu.memory_space<hbm>> -> memref<8x4096xf32, #tpu.memory_space<hbm>>
    tpu.wait_dma2 semaphore(%arg11 : memref<!tpu.dma_semaphore, #tpu.memory_space<semaphore_mem>>) src(%arg7 : memref<8x4096xf32, #tpu.memory_space<vmem>>) dst(%dma_wait3A_384 : memref<8x4096xf32, #tpu.memory_space<hbm>>)
    return
  }
}

</mosaic_0001>

<sc_bundles>
// kernel: kernel.3.cloned.1.call-start
scs
__scs_entry_jumppad:
0x0: {  	(pc) =	sbr.rel $0x88, $3  }
0x1: {  	(tag) =	ssettag $0x0;
	lr =	simm.s32 $0x1  }
0x2: {  	[smem:$0x3F9F] =	sst lr;
	_ =	strace $0xD0000000  }
0x3: {  	_ = 	snop  }
0x4: {  	_ = 	snop  }
0x5: {  	_ = 	snop  }
0x6: {  	_ = 	snop  }
0x7: {  	_ = 	snop  }
__scs_overlays_trampoline_lowered:
0x8: {  	[smem:$0x3FAE] =	sst s0  }
0x9: {  	[smem:$0x3FAF] =	sst s1  }
0xa: {  	[smem:$0x3FB0] =	sst s2  }
0xb: {  	[smem:$0x3FB1] =	sst s3  }
0xc: {  	[smem:$0x3FB2] =	sst s4  }
0xd: {  	[smem:$0x3FB3] =	sst s5  }
0xe: {  	[smem:$0x3FB4] =	sst s6  }
0xf: {  	[smem:$0x3FB5] =	sst s7  }
0x10: {  	[smem:$0x3FB6] =	sst s8  }
0x11: {  	[smem:$0x3FB7] =	sst s9;
	s0 =	simm.s32 @!p0 $0x0  }
0x12: {  	s1 =	sld [smem:$0x3F9D];
	s0 =	simm.s32 @p0 $0x1  }
0x13: {  	[smem:$0x3FB8] =	sst s0;
	s0 =	simm.s32 @!p1 $0x0  }
0x14: {  	s2 =	sld [smem:$0x3F9C];
	s0 =	simm.s32 @p1 $0x1  }
0x15: {  	[smem:$0x3FB9] =	sst s0;
	s0 =	simm.s32 @!p2 $0x0  }
0x16: {  	s3 =	sld [smem:$0x3FDB];
	s0 =	simm.s32 @p2 $0x1  }
0x17: {  	s4 =	simm.s32 $0x1BF5;
	[smem:$0x3FBB] =	sst s0  }
0x18: {  	s0 =	sld [smem:$0x3F9E];
	_ =	swait.ge [sflag:s4], $0x0  }
0x19: {  	s7 =	sld [smem:$0x3F9F]  }
0x1a: {  	s8 =	sadd.s32 $0xFFFFE003, lr  }
0x1b: {  	s9 =	sadd.s32 $0xFFFFFEF7, lr;
	s5 =	simm.s32 $0xFFFFFFFF;
	p2 =	slt.u32 s8, $0xFFFFF086  }
0x1c: {  	p1 =	slt.u32 s9, $0xF7A;
	s5 =	simm.s32 @!p2 $0x0  }
0x1d: {  	s5 =	simm.s32 @p1 $0x1;
	p0 =	seq.s32 s7, s2  }
0x1e: {  	s7 =	smul.u32 @!p0 $0xF7A, s2;
	p2 =	seq.s32 @!p0 s5, $0x0  }
0x1f: {  	s9 =	smul.u32 $0xF7A, s1;
	s8 =	simm.s32 @!p0 $0x1BF5;
	p2 =	por !p2, p0  }
0x20: {  	[sflag:s8] =	ssyncset.s32 @!p0 $0xFFFFF086;
	s6 =	sadd.s32 @!p0 s3, s7;
	s7 =	simm.s32 @!p0 $0x108  }
0x21: {  	s3 =	sadd.s32 s3, s9;
	s6 =	sadd.s32 @!p0 $0x88, s6;
	s7 =	simm.s32 @p2 $0x1082  }
0x22: {  	[simem:s7], [sflag:s8] =	dma.local @!p0 [hbm:s6], $0xF7A  }
0x23: {  	s9 =	sor.u32 $0xD0000000, s2;
	s6 =	simm.s32 $0x108;
	_ =	swait.ge @!p0 [sflag:s8], $0x0  }
0x24: {  	s3 =	sadd.s32 $0x88, s3;
	s6 =	simm.s32 @!p1 $0x1082;
	[sflag:s4] =	ssyncset.s32 $0xFFFFF086  }
0x25: {  	[simem:s6], [sflag:s4] =	dma.local [hbm:s3], $0xF7A  }
0x26: {  	[smem:$0x3F9F] =	sst s1;
	(tag) =	ssettag s2;
	_ =	strace s9  }
0x27: {  	s1 =	sld [smem:$0x3FAF]  }
0x28: {  	s2 =	sld [smem:$0x3FB0]  }
0x29: {  	s4 =	sld [smem:$0x3FB2]  }
0x2a: {  	p0 =	seq.s32 s5, $0x0;
	s5 =	sld [smem:$0x3FB3]  }
0x2b: {  	s6 =	sld [smem:$0x3FB4]  }
0x2c: {  	s7 =	sld [smem:$0x3FB5]  }
0x2d: {  	s3 =	simm.s32 $0x108;
	s8 =	sld [smem:$0x3FB6]  }
0x2e: {  	s3 =	simm.s32 @!p0 $0x1082;
	s9 =	sld [smem:$0x3FB7]  }
0x2f: {  	lr =	sadd.s32 s0, s3;
	s0 =	sld [smem:$0x3FAE]  }
0x30: {  	s3 =	sld [smem:$0x3FB1]  }
0x31: {  	[smem:$0x3FBA] =	sst s10  }
0x32: {  	s10 =	sld [smem:$0x3FB8];
	_ =	sdelay $0x3  }
0x33: {  	p0 =	seq.s32 s10, $0x1;
	s10 =	sld [smem:$0x3FBA];
	_ =	sdelay $0x3  }
0x34: {  	[smem:$0x3FBA] =	sst s10  }
0x35: {  	s10 =	sld [smem:$0x3FB9];
	_ =	sdelay $0x3  }
0x36: {  	p1 =	seq.s32 s10, $0x1;
	s10 =	sld [smem:$0x3FBA];
	_ =	sdelay $0x3  }
0x37: {  	[smem:$0x3FBA] =	sst s10  }
0x38: {  	s10 =	sld [smem:$0x3FBB]  }
0x39: {  	_ = 	snop;
	(pc) =	sbr.ind lr, $3  }
0x3a: {  	_ = 	snop  }
0x3b: {  	_ = 	snop  }
0x3c: {  	p2 =	seq.s32 s10, $0x1;
	s10 =	sld [smem:$0x3FBA]  }
0x3d: {  	_ =	shalt  }
0x3e: {  	_ =	shalt  }
0x3f: {  	_ =	shalt  }
0x40: {  	_ =	shalt  }
0x41: {  	_ =	shalt  }
0x42: {  	_ =	shalt  }
0x43: {  	_ =	shalt  }
0x44: {  	_ =	shalt  }
0x45: {  	_ =	shalt  }
0x46: {  	_ =	shalt  }
0x47: {  	_ =	shalt  }
0x48: {  	_ =	shalt  }
0x49: {  	_ =	shalt  }
0x4a: {  	_ =	shalt  }
0x4b: {  	_ =	shalt  }
0x4c: {  	_ =	shalt  }
0x4d: {  	_ =	shalt  }
0x4e: {  	_ =	shalt  }
0x4f: {  	_ =	shalt  }
0x50: {  	_ =	shalt  }
0x51: {  	_ =	shalt  }
0x52: {  	_ =	shalt  }
0x53: {  	_ =	shalt  }
0x54: {  	_ =	shalt  }
0x55: {  	_ =	shalt  }
0x56: {  	_ =	shalt  }
0x57: {  	_ =	shalt  }
0x58: {  	_ =	shalt  }
0x59: {  	_ =	shalt  }
0x5a: {  	_ =	shalt  }
0x5b: {  	_ =	shalt  }
0x5c: {  	_ =	shalt  }
0x5d: {  	_ =	shalt  }
0x5e: {  	_ =	shalt  }
0x5f: {  	_ =	shalt  }
0x60: {  	_ =	shalt  }
0x61: {  	_ =	shalt  }
0x62: {  	_ =	shalt  }
0x63: {  	_ =	shalt  }
0x64: {  	_ =	shalt  }
0x65: {  	_ =	shalt  }
0x66: {  	_ =	shalt  }
0x67: {  	_ =	shalt  }
0x68: {  	_ =	shalt  }
0x69: {  	_ =	shalt  }
0x6a: {  	_ =	shalt  }
0x6b: {  	_ =	shalt  }
0x6c: {  	_ =	shalt  }
0x6d: {  	_ =	shalt  }
0x6e: {  	_ =	shalt  }
0x6f: {  	_ =	shalt  }
0x70: {  	_ =	shalt  }
0x71: {  	_ =	shalt  }
0x72: {  	_ =	shalt  }
0x73: {  	_ =	shalt  }
0x74: {  	_ =	shalt  }
0x75: {  	_ =	shalt  }
0x76: {  	_ =	shalt  }
0x77: {  	_ =	shalt  }
0x78: {  	_ =	shalt  }
0x79: {  	_ =	shalt  }
0x7a: {  	_ =	shalt  }
0x7b: {  	_ =	shalt  }
0x7c: {  	_ =	shalt  }
0x7d: {  	_ =	shalt  }
0x7e: {  	_ =	shalt  }
0x7f: {  	_ =	shalt  }
0x80: {  	_ =	shalt  }
0x81: {  	_ =	shalt  }
0x82: {  	_ =	shalt  }
0x83: {  	_ =	shalt  }
0x84: {  	_ =	shalt  }
0x85: {  	_ =	shalt  }
0x86: {  	_ =	shalt  }
0x87: {  	_ =	shalt  }
.Lfunc_end0:
.L_simem_size_0:
called_computation_lowered:
.L_overlay_start_0:
0x88: {  	s2 =	sld [smem:$0x3FD9]  }
0x89: {  	s3 =	sld [smem:$0x3FFE];
	_ =	sdelay $0x1  }
0x8a: {  	s1 =	srdreg.scid  }
0x8b: {  	s0 =	sand.u32 $0x1, s1  }
0x8c: {  	s17 =	sshll.u32 s0, $0xA;
	s2 =	sadd.s32 s3, s2  }
0x8d: {  	s2 =	sadd.s32 s2, s17  }
0x8e: {  	[smem:$0x3FC6] =	sst s2  }
0x8f: {  	_ = 	snop  }
0x90: {  	s2 =	sld [smem:$0x3FD0];
	(tm) =	ssettm $0x1  }
0x91: {  	s18 =	sld [smem:$0x3FFB];
	_ =	sdelay $0x3  }
0x92: {  	_ =	strace s18  }
0x93: {  	s3 =	sld [smem:$0x3FFC];
	_ =	sdelay $0x3  }
0x94: {  	_ =	strace s3  }
0x95: {  	s3 =	sld [smem:$0x3FFD];
	_ =	sdelay $0x3  }
0x96: {  	_ =	strace s3  }
0x97: {  	_ =	strace $0x8FFFFFFF  }
0x98: {  	s19 =	sld [smem:$0x3FDB];
	_ =	sdelay $0x1  }
0x99: {  	s4 =	simm.s32 $_scs_section_size  }
0x9a: {  	s5 =	simm.s32 $_size__tile_overlayer_lowered;
	s6 =	simm.s32 $_tile_overlayer_lowered  }
0x9b: {  	s22 =	simm.s32 $0x1BFF;
	s21 =	sshll.u32 s6, $0x1;
	s3 =	sadd.s32 s4, s19  }
0x9c: {  	s7 =	simm.s32 $0x0;
	s20 =	sshll.u32 s5, $0x1;
	s5 =	sadd.s32 s21, s3  }
0x9d: {  	[timem:s7], [sflag:s22] =	dma.local [hbm:s5], s20  }
0x9e: {  	_ =	swait.ge [sflag:s22], s20  }
0x9f: {  	s4 =	ssub.s32 $0x0, s20;
	[sflag:s22] =	ssyncset.done $0x0  }
0xa0: {  	[sflag:s22] =	ssyncadd.s32 s4;
	_ =	sdelay $0x1  }
0xa1: {  	s23 =	simm.s32 $0x1B8B  }
0xa2: {  	_ =	swait.ge [sflag:s23], $0x1  }
0xa3: {  	[sflag:s23] =	ssyncset.done $0x0  }
0xa4: {  	s25 =	simm.s32 $0x1B8E;
	s24 =	sld [smem:$0x3FFE];
	[sflag:s23] =	ssyncadd.s32 $0xFFFFFFFF  }
0xa5: {  	s26 =	simm.s32 $execute0_lowered;
	[smem:$0x3FD2] =	sst s25  }
0xa6: {  	s5 =	sshll.u32 s26, $0x1;
	_ =	strace $0x80000046;
	[dreg:$0x1] =	wrdreg $0xFFFFFFFF  }
0xa7: {  	s28 =	simm.s32 $_size_execute0_lowered;
	s3 =	sadd.s32 s3, s5;
	[dreg:$0x0] =	wrdreg $0x0  }
0xa8: {  	s5 =	sshll.u32 s28, $0x1;
	[dreg:$0x2] =	wrdreg s3  }
0xa9: {  	[dreg:$0x3] =	wrdreg s5  }
0xaa: {  	[dreg:$0x4] =	wrdreg $0xC0  }
0xab: {  	_ =	task [dreg:s7], $0x5FFFF  }
0xac: {  	[dreg:$0x1] =	wrdreg $0xFFFFFFFF  }
0xad: {  	[dreg:$0x0] =	wrdreg $0x60  }
0xae: {  	[dreg:$0x2] =	wrdreg s2  }
0xaf: {  	[dreg:$0x3] =	wrdreg s24  }
0xb0: {  	[dreg:$0x4] =	wrdreg $0x9  }
0xb1: {  	_ =	task.clear_ibuf [dreg:s7], $0x5FFFF;
	_ =	strace $0x90000046  }
0xb2: {  	s29 =	simm.s32 $0x9;
	_ =	strace $0x80000048  }
0xb3: {  	_ =	swait.ge [sflag:s29], $0x1  }
0xb4: {  	[sflag:s29] =	ssyncadd.s32 $0xFFFFFFFF  }
0xb5: {  	_ =	strace $0x90000048  }
0xb6: {  	_ =	sfence  }
0xb7: {  	s30 =	sld [smem:$0x0];
	_ =	sdelay $0x2  }
0xb8: {  	s31 =	sshll.u32 s1, $0xD;
	s1 =	sshrl.u32 s1, $0x2  }
0xb9: {  	s3 =	sand.u32 $0x4000, s31;
	s1 =	sadd.s32 s1, s30  }
0xba: {  	s0 =	sor.u32 s3, s0;
	s1 =	sshll.u32 s1, $0x11  }
0xbb: {  	s0 =	sor.u32 s1, s0  }
0xbc: {  	s0 =	sadd.s32 $0x8F2B, s0  }
0xbd: {  	[sflag:s0] =	ssyncadd.remote.s32 $0x1  }
0xbe: {  	_ =	sfence.sel $0xFFFF  }
0xbf: {  	[dreg:$0x0] =	wrdreg $0xFFFFFFFF;
	(pc) =	sbr.abs _section_cstart, $3  }
0xc0: {  	[dreg:$0x1] =	wrdreg $0xFFFFFFFF  }
0xc1: {  	_ =	task.clear_ibuf [dreg:s7], $0x2FFFF;
	_ =	strace $0x9FFFFFFF  }
0xc2: {  	(tm) =	ssettm $0x7FFFFFFF  }
0xc3: {  	_ =	shalt  }
tec
execute0_lowered:
.L_overlay_start_1:
0x0: {  	(tag) =	ssettag $0x1  }
0x1: {  	s0 =	rddreg [dreg:$0x0]  }
0x2: {  	s2 =	rddreg [dreg:$0x1];
	s3 =	simm.s32 $0x0  }
0x3: {  	s1 =	srdreg.scid;
	s4 =	stileid.u32;
	s31 =	simm.s32 $0x1  }
0x4: {  	[smem:$0x7FF] =	sst s3;
	s1 =	sand.u32 $0x1, s1;
	s4 =	sshll.u32 s4, $0x1  }
0x5: {  	s6 =	sadd.s32 $0x300, s2;
	s7 =	sadd.s32 $0x400, s2;
	s4 =	sor.u32 s1, s4  }
0x6: {  	s8 =	sadd.s32 $0x500, s2;
	s5 =	sshll.u32 s4, $0x10;
	s4 =	sshll.u32 s4, $0x8  }
0x7: {  	s9 =	sadd.s32 $0x600, s2;
	s19 =	sadd.s32 s5, s2;
	s0 =	sadd.s32 s0, s4  }
0x8: {  	_ =	strace $0x80000047;
	[dreg:$0x3] =	wrdreg s0;
	s13 =	sadd.s32 $0x401000, s19  }
0x9: {  	s10 =	sadd.s32 $0x700, s2;
	s14 =	sadd.s32 $0x402000, s19;
	[dreg:$0x4] =	wrdreg s13  }
0xa: {  	s11 =	sadd.s32 $0x800, s2;
	s15 =	sadd.s32 $0x403000, s19;
	[dreg:$0x5] =	wrdreg s14  }
0xb: {  	s1 =	ssub.s32 $0x2, s1;
	s16 =	sadd.s32 $0x404000, s19;
	[dreg:$0x6] =	wrdreg s15  }
0xc: {  	s12 =	sshrl.u32 s1, $0x1;
	s17 =	sadd.s32 $0x405000, s19;
	[dreg:$0x7] =	wrdreg s16  }
0xd: {  	s1 =	ssub.s32 s1, s12;
	s18 =	sadd.s32 $0x406000, s19;
	[dreg:$0x8] =	wrdreg s17  }
0xe: {  	s4 =	sadd.s32 $0x100, s2;
	s20 =	sadd.s32 $0x407000, s19;
	[dreg:$0x9] =	wrdreg s18  }
0xf: {  	s5 =	sadd.s32 $0x200, s2;
	s21 =	sadd.s32 $0x408000, s19;
	[dreg:$0xa] =	wrdreg s20  }
0x10: {  	s12 =	sadd.s32 $0x900, s2;
	s22 =	sadd.s32 $0x409000, s19;
	[dreg:$0xb] =	wrdreg s21  }
0x11: {  	s23 =	sadd.s32 $0x40A000, s19;
	s24 =	sadd.s32 $0x40B000, s19;
	[dreg:$0xc] =	wrdreg s22  }
0x12: {  	s25 =	sadd.s32 $0x40C000, s19;
	s26 =	sadd.s32 $0x40D000, s19;
	[dreg:$0xd] =	wrdreg s23  }
0x13: {  	s28 =	sadd.s32 $0x40E000, s19;
	s29 =	sadd.s32 $0x40F000, s19;
	[dreg:$0xe] =	wrdreg s24  }
0x14: {  	s30 =	sadd.s32 $0x410000, s19;
	s19 =	smax.u32 s1, $0x1;
	[dreg:$0xf] =	wrdreg s25  }
0x15: {  	s0 =	simm.s32 $0x3;
	s1 =	simm.s32 $0x2;
	[dreg:$0x10] =	wrdreg s26  }
0x16: {  	s13 =	sadd.s32 $0xA00, s2;
	s14 =	sadd.s32 $0xB00, s2;
	[dreg:$0x11] =	wrdreg s28  }
0x17: {  	v0 =	vlaneseq.u32;
	s15 =	sadd.s32 $0xC00, s2;
	s16 =	sadd.s32 $0xD00, s2;
	[dreg:$0x12] =	wrdreg s29  }
0x18: {  	v1 =	vshrl.u32 v0, $0x3;
	s17 =	sadd.s32 $0xE00, s2;
	s18 =	sadd.s32 $0xF00, s2;
	[dreg:$0x13] =	wrdreg s30  }
0x19: {  	vm0 =	vmmov $0xffff;
	v0 =	vand.u32 $0x7, v0;
	v1 =	vmul.u32 $0x8, v1;
	s21 =	simm.s32 $0x800;
	s25 =	simm.s32 $0x8800;
	s20 =	simm.s32 $0x4  }
.LBB2_1:
0x1a: {  	[dreg:$0x14] =	wrdreg s19  }
0x1b: {  	s22 =	rddreg [dreg:$0x3];
	s29 =	simm.s32 $0x5  }
0x1c: {  	[tilespmem:s3], [sflag:$0x5] =	stream.linear.gather [hbm4b:s22+s3], $0x800, $0x38;
	[tilespmem:$0x10800] =	vst v63  }
0x1d: {  	_ =	swait.ge [sflag:s29], $0x800  }
0x1e: {  	[sflag:s29] =	ssyncset.done $0x0  }
0x1f: {  	[sflag:s29] =	ssyncadd.s32 $0xFFFFF800  }
0x20: {  	v2 =	vld.msk [tilespmem:$0x0], $0xff;
	_ =	sdelay $0x4  }
0x21: {  	v3 =	vshll.u32 v2, $0x5  }
0x22: {  	v2 =	vand.u32 $0x7, v2;
	v3 =	vand.u32 $0xFFFFFF00, v3  }
0x23: {  	v2 =	vor.u32 v2, v3  }
0x24: {  	v2 =	vperm.xlane v2, v0;
	_ =	sdelay $0x1  }
0x25: {  	v2 =	vadd.s32 v1, v2;
	_ =	sdelay $0x3  }
0x26: {  	s2 =	rddreg [dreg:$0x1]  }
0x27: {  	[tilespmem:s21], [sflag:$0x1] =	stream.indirect_vreg.gather [hbm4b:s2+s3], $0x80, v2, vm0, $0xb8;
	[tilespmem:$0x10800] =	vst v63  }
0x28: {  	s30 =	simm.s32 $0x1000  }
0x29: {  	[tilespmem:s30], [sflag:$0x1] =	stream.indirect_vreg.gather [hbm4b:s4+s3], $0x80, v2, vm0, $0xb8;
	[tilespmem:$0x10800] =	vst v63  }
0x2a: {  	s19 =	simm.s32 $0x1800  }
0x2b: {  	[tilespmem:s19], [sflag:$0x1] =	stream.indirect_vreg.gather [hbm4b:s5+s3], $0x80, v2, vm0, $0xb8;
	[tilespmem:$0x10800] =	vst v63  }
0x2c: {  	s23 =	simm.s32 $0x2000  }
0x2d: {  	[tilespmem:s23], [sflag:$0x1] =	stream.indirect_vreg.gather [hbm4b:s6+s3], $0x80, v2, vm0, $0xb8;
	[tilespmem:$0x10800] =	vst v63  }
0x2e: {  	s24 =	simm.s32 $0x2800  }
0x2f: {  	[tilespmem:s24], [sflag:$0x1] =	stream.indirect_vreg.gather [hbm4b:s7+s3], $0x80, v2, vm0, $0xb8;
	[tilespmem:$0x10800] =	vst v63  }
0x30: {  	s26 =	simm.s32 $0x3000  }
0x31: {  	[tilespmem:s26], [sflag:$0x1] =	stream.indirect_vreg.gather [hbm4b:s8+s3], $0x80, v2, vm0, $0xb8;
	[tilespmem:$0x10800] =	vst v63  }
0x32: {  	s28 =	simm.s32 $0x3800  }
0x33: {  	[tilespmem:s28], [sflag:$0x1] =	stream.indirect_vreg.gather [hbm4b:s9+s3], $0x80, v2, vm0, $0xb8;
	[tilespmem:$0x10800] =	vst v63  }
0x34: {  	s29 =	simm.s32 $0x4000  }
0x35: {  	[tilespmem:s29], [sflag:$0x1] =	stream.indirect_vreg.gather [hbm4b:s10+s3], $0x80, v2, vm0, $0xb8;
	[tilespmem:$0x10800] =	vst v63  }
0x36: {  	s30 =	simm.s32 $0x4800  }
0x37: {  	[tilespmem:s30], [sflag:$0x1] =	stream.indirect_vreg.gather [hbm4b:s11+s3], $0x80, v2, vm0, $0xb8;
	[tilespmem:$0x10800] =	vst v63  }
0x38: {  	s19 =	simm.s32 $0x5000  }
0x39: {  	[tilespmem:s19], [sflag:$0x1] =	stream.indirect_vreg.gather [hbm4b:s12+s3], $0x80, v2, vm0, $0xb8;
	[tilespmem:$0x10800] =	vst v63  }
0x3a: {  	s23 =	simm.s32 $0x5800  }
0x3b: {  	[tilespmem:s23], [sflag:$0x1] =	stream.indirect_vreg.gather [hbm4b:s13+s3], $0x80, v2, vm0, $0xb8;
	[tilespmem:$0x10800] =	vst v63  }
0x3c: {  	s24 =	simm.s32 $0x6000  }
0x3d: {  	[tilespmem:s24], [sflag:$0x1] =	stream.indirect_vreg.gather [hbm4b:s14+s3], $0x80, v2, vm0, $0xb8;
	[tilespmem:$0x10800] =	vst v63  }
0x3e: {  	s26 =	simm.s32 $0x6800  }
0x3f: {  	[tilespmem:s26], [sflag:$0x1] =	stream.indirect_vreg.gather [hbm4b:s15+s3], $0x80, v2, vm0, $0xb8;
	[tilespmem:$0x10800] =	vst v63  }
0x40: {  	s28 =	simm.s32 $0x7000  }
0x41: {  	[tilespmem:s28], [sflag:$0x1] =	stream.indirect_vreg.gather [hbm4b:s16+s3], $0x80, v2, vm0, $0xb8;
	[tilespmem:$0x10800] =	vst v63  }
0x42: {  	s29 =	simm.s32 $0x7800  }
0x43: {  	[tilespmem:s29], [sflag:$0x1] =	stream.indirect_vreg.gather [hbm4b:s17+s3], $0x80, v2, vm0, $0xb8;
	[tilespmem:$0x10800] =	vst v63  }
0x44: {  	s30 =	simm.s32 $0x8000  }
0x45: {  	[tilespmem:s30], [sflag:$0x1] =	stream.indirect_vreg.gather [hbm4b:s18+s3], $0x80, v2, vm0, $0xb8;
	[tilespmem:$0x10800] =	vst v63  }
0x46: {  	v2 =	vld.msk [tilespmem:$0x80], $0xff;
	_ =	sdelay $0x4  }
0x47: {  	v3 =	vshll.u32 v2, $0x5  }
0x48: {  	v2 =	vand.u32 $0x7, v2;
	v3 =	vand.u32 $0xFFFFFF00, v3  }
0x49: {  	v2 =	vor.u32 v2, v3  }
0x4a: {  	v2 =	vperm.xlane v2, v0;
	_ =	sdelay $0x1  }
0x4b: {  	v2 =	vadd.s32 v1, v2;
	_ =	sdelay $0x4  }
0x4c: {  	[tilespmem:s25], [sflag:$0x2] =	stream.indirect_vreg.gather [hbm4b:s2+s3], $0x80, v2, vm0, $0xb8;
	[tilespmem:$0x10800] =	vst v63  }
0x4d: {  	s22 =	simm.s32 $0x9000  }
0x4e: {  	[tilespmem:s22], [sflag:$0x2] =	stream.indirect_vreg.gather [hbm4b:s4+s3], $0x80, v2, vm0, $0xb8;
	[tilespmem:$0x10800] =	vst v63  }
0x4f: {  	s22 =	simm.s32 $0x9800  }
0x50: {  	[tilespmem:s22], [sflag:$0x2] =	stream.indirect_vreg.gather [hbm4b:s5+s3], $0x80, v2, vm0, $0xb8;
	[tilespmem:$0x10800] =	vst v63  }
0x51: {  	s22 =	simm.s32 $0xA000  }
0x52: {  	[tilespmem:s22], [sflag:$0x2] =	stream.indirect_vreg.gather [hbm4b:s6+s3], $0x80, v2, vm0, $0xb8;
	[tilespmem:$0x10800] =	vst v63  }
0x53: {  	s22 =	simm.s32 $0xA800  }
0x54: {  	[tilespmem:s22], [sflag:$0x2] =	stream.indirect_vreg.gather [hbm4b:s7+s3], $0x80, v2, vm0, $0xb8;
	[tilespmem:$0x10800] =	vst v63  }
0x55: {  	s22 =	simm.s32 $0xB000  }
0x56: {  	[tilespmem:s22], [sflag:$0x2] =	stream.indirect_vreg.gather [hbm4b:s8+s3], $0x80, v2, vm0, $0xb8;
	[tilespmem:$0x10800] =	vst v63  }
0x57: {  	s22 =	simm.s32 $0xB800  }
0x58: {  	[tilespmem:s22], [sflag:$0x2] =	stream.indirect_vreg.gather [hbm4b:s9+s3], $0x80, v2, vm0, $0xb8;
	[tilespmem:$0x10800] =	vst v63  }
0x59: {  	s22 =	simm.s32 $0xC000  }
0x5a: {  	[tilespmem:s22], [sflag:$0x2] =	stream.indirect_vreg.gather [hbm4b:s10+s3], $0x80, v2, vm0, $0xb8;
	[tilespmem:$0x10800] =	vst v63  }
0x5b: {  	s22 =	simm.s32 $0xC800  }
0x5c: {  	[tilespmem:s22], [sflag:$0x2] =	stream.indirect_vreg.gather [hbm4b:s11+s3], $0x80, v2, vm0, $0xb8;
	[tilespmem:$0x10800] =	vst v63  }
0x5d: {  	s22 =	simm.s32 $0xD000  }
0x5e: {  	[tilespmem:s22], [sflag:$0x2] =	stream.indirect_vreg.gather [hbm4b:s12+s3], $0x80, v2, vm0, $0xb8;
	[tilespmem:$0x10800] =	vst v63  }
0x5f: {  	s22 =	simm.s32 $0xD800  }
0x60: {  	[tilespmem:s22], [sflag:$0x2] =	stream.indirect_vreg.gather [hbm4b:s13+s3], $0x80, v2, vm0, $0xb8;
	[tilespmem:$0x10800] =	vst v63  }
0x61: {  	s22 =	simm.s32 $0xE000  }
0x62: {  	[tilespmem:s22], [sflag:$0x2] =	stream.indirect_vreg.gather [hbm4b:s14+s3], $0x80, v2, vm0, $0xb8;
	[tilespmem:$0x10800] =	vst v63  }
0x63: {  	s22 =	simm.s32 $0xE800  }
0x64: {  	[tilespmem:s22], [sflag:$0x2] =	stream.indirect_vreg.gather [hbm4b:s15+s3], $0x80, v2, vm0, $0xb8;
	[tilespmem:$0x10800] =	vst v63  }
0x65: {  	s22 =	simm.s32 $0xF000  }
0x66: {  	[tilespmem:s22], [sflag:$0x2] =	stream.indirect_vreg.gather [hbm4b:s16+s3], $0x80, v2, vm0, $0xb8;
	[tilespmem:$0x10800] =	vst v63  }
0x67: {  	s22 =	simm.s32 $0xF800  }
0x68: {  	[tilespmem:s22], [sflag:$0x2] =	stream.indirect_vreg.gather [hbm4b:s17+s3], $0x80, v2, vm0, $0xb8;
	[tilespmem:$0x10800] =	vst v63  }
0x69: {  	s22 =	simm.s32 $0x10000  }
0x6a: {  	[tilespmem:s22], [sflag:$0x2] =	stream.indirect_vreg.gather [hbm4b:s18+s3], $0x80, v2, vm0, $0xb8;
	[tilespmem:$0x10800] =	vst v63  }
0x6b: {  	_ =	swait.ge [sflag:s31], $0x8000  }
0x6c: {  	[sflag:s31] =	ssyncset.done $0x0  }
0x6d: {  	s22 =	rddreg [dreg:$0x4];
	[sflag:s31] =	ssyncadd.s32 $0xFFFF8000  }
0x6e: {  	[hbm4b:s22+s3] =	stream.linear.scatter [tilespmem:s21], [sflag:$0x3], $0x8000, $0x38;
	[tilespmem:$0x10800] =	vst v63  }
0x6f: {  	_ =	swait.ge [sflag:s0], $0x8000  }
0x70: {  	[sflag:s0] =	ssyncset.done $0x0  }
0x71: {  	[sflag:s0] =	ssyncadd.s32 $0xFFFF8000  }
0x72: {  	v2 =	vld.msk [tilespmem:$0x100], $0xff;
	_ =	sdelay $0x4  }
0x73: {  	v3 =	vshll.u32 v2, $0x5  }
0x74: {  	v2 =	vand.u32 $0x7, v2;
	v3 =	vand.u32 $0xFFFFFF00, v3  }
0x75: {  	v2 =	vor.u32 v2, v3  }
0x76: {  	v2 =	vperm.xlane v2, v0;
	_ =	sdelay $0x1  }
0x77: {  	v2 =	vadd.s32 v1, v2;
	_ =	sdelay $0x4  }
0x78: {  	[tilespmem:s21], [sflag:$0x1] =	stream.indirect_vreg.gather [hbm4b:s2+s3], $0x80, v2, vm0, $0xb8;
	[tilespmem:$0x10800] =	vst v63  }
0x79: {  	s22 =	simm.s32 $0x1000  }
0x7a: {  	[tilespmem:s22], [sflag:$0x1] =	stream.indirect_vreg.gather [hbm4b:s4+s3], $0x80, v2, vm0, $0xb8;
	[tilespmem:$0x10800] =	vst v63  }
0x7b: {  	s22 =	simm.s32 $0x1800  }
0x7c: {  	[tilespmem:s22], [sflag:$0x1] =	stream.indirect_vreg.gather [hbm4b:s5+s3], $0x80, v2, vm0, $0xb8;
	[tilespmem:$0x10800] =	vst v63  }
0x7d: {  	s22 =	simm.s32 $0x2000  }
0x7e: {  	[tilespmem:s22], [sflag:$0x1] =	stream.indirect_vreg.gather [hbm4b:s6+s3], $0x80, v2, vm0, $0xb8;
	[tilespmem:$0x10800] =	vst v63  }
0x7f: {  	s22 =	simm.s32 $0x2800  }
0x80: {  	[tilespmem:s22], [sflag:$0x1] =	stream.indirect_vreg.gather [hbm4b:s7+s3], $0x80, v2, vm0, $0xb8;
	[tilespmem:$0x10800] =	vst v63  }
0x81: {  	s22 =	simm.s32 $0x3000  }
0x82: {  	[tilespmem:s22], [sflag:$0x1] =	stream.indirect_vreg.gather [hbm4b:s8+s3], $0x80, v2, vm0, $0xb8;
	[tilespmem:$0x10800] =	vst v63  }
0x83: {  	s22 =	simm.s32 $0x3800  }
0x84: {  	[tilespmem:s22], [sflag:$0x1] =	stream.indirect_vreg.gather [hbm4b:s9+s3], $0x80, v2, vm0, $0xb8;
	[tilespmem:$0x10800] =	vst v63  }
0x85: {  	s22 =	simm.s32 $0x4000  }
0x86: {  	[tilespmem:s22], [sflag:$0x1] =	stream.indirect_vreg.gather [hbm4b:s10+s3], $0x80, v2, vm0, $0xb8;
	[tilespmem:$0x10800] =	vst v63  }
0x87: {  	s22 =	simm.s32 $0x4800  }
0x88: {  	[tilespmem:s22], [sflag:$0x1] =	stream.indirect_vreg.gather [hbm4b:s11+s3], $0x80, v2, vm0, $0xb8;
	[tilespmem:$0x10800] =	vst v63  }
0x89: {  	s19 =	simm.s32 $0x5000  }
0x8a: {  	[tilespmem:s19], [sflag:$0x1] =	stream.indirect_vreg.gather [hbm4b:s12+s3], $0x80, v2, vm0, $0xb8;
	[tilespmem:$0x10800] =	vst v63  }
0x8b: {  	s23 =	simm.s32 $0x5800  }
0x8c: {  	[tilespmem:s23], [sflag:$0x1] =	stream.indirect_vreg.gather [hbm4b:s13+s3], $0x80, v2, vm0, $0xb8;
	[tilespmem:$0x10800] =	vst v63  }
0x8d: {  	s24 =	simm.s32 $0x6000  }
0x8e: {  	[tilespmem:s24], [sflag:$0x1] =	stream.indirect_vreg.gather [hbm4b:s14+s3], $0x80, v2, vm0, $0xb8;
	[tilespmem:$0x10800] =	vst v63  }
0x8f: {  	s26 =	simm.s32 $0x6800  }
0x90: {  	[tilespmem:s26], [sflag:$0x1] =	stream.indirect_vreg.gather [hbm4b:s15+s3], $0x80, v2, vm0, $0xb8;
	[tilespmem:$0x10800] =	vst v63  }
0x91: {  	s28 =	simm.s32 $0x7000  }
0x92: {  	[tilespmem:s28], [sflag:$0x1] =	stream.indirect_vreg.gather [hbm4b:s16+s3], $0x80, v2, vm0, $0xb8;
	[tilespmem:$0x10800] =	vst v63  }
0x93: {  	s29 =	simm.s32 $0x7800  }
0x94: {  	[tilespmem:s29], [sflag:$0x1] =	stream.indirect_vreg.gather [hbm4b:s17+s3], $0x80, v2, vm0, $0xb8;
	[tilespmem:$0x10800] =	vst v63  }
0x95: {  	s30 =	simm.s32 $0x8000  }
0x96: {  	[tilespmem:s30], [sflag:$0x1] =	stream.indirect_vreg.gather [hbm4b:s18+s3], $0x80, v2, vm0, $0xb8;
	[tilespmem:$0x10800] =	vst v63  }
0x97: {  	_ =	swait.ge [sflag:s1], $0x8000  }
0x98: {  	[sflag:s1] =	ssyncset.done $0x0  }
0x99: {  	s30 =	rddreg [dreg:$0x5];
	[sflag:s1] =	ssyncadd.s32 $0xFFFF8000  }
0x9a: {  	[hbm4b:s30+s3] =	stream.linear.scatter [tilespmem:s25], [sflag:$0x4], $0x8000, $0x38;
	[tilespmem:$0x10800] =	vst v63  }
0x9b: {  	_ =	swait.ge [sflag:s20], $0x8000  }
0x9c: {  	[sflag:s20] =	ssyncset.done $0x0  }
0x9d: {  	[sflag:s20] =	ssyncadd.s32 $0xFFFF8000  }
0x9e: {  	v2 =	vld.msk [tilespmem:$0x180], $0xff;
	_ =	sdelay $0x4  }
0x9f: {  	v3 =	vshll.u32 v2, $0x5  }
0xa0: {  	v2 =	vand.u32 $0x7, v2;
	v3 =	vand.u32 $0xFFFFFF00, v3  }
0xa1: {  	v2 =	vor.u32 v2, v3  }
0xa2: {  	v2 =	vperm.xlane v2, v0;
	_ =	sdelay $0x1  }
0xa3: {  	v2 =	vadd.s32 v1, v2;
	_ =	sdelay $0x4  }
0xa4: {  	[tilespmem:s25], [sflag:$0x2] =	stream.indirect_vreg.gather [hbm4b:s2+s3], $0x80, v2, vm0, $0xb8;
	[tilespmem:$0x10800] =	vst v63  }
0xa5: {  	s29 =	simm.s32 $0x9000  }
0xa6: {  	[tilespmem:s29], [sflag:$0x2] =	stream.indirect_vreg.gather [hbm4b:s4+s3], $0x80, v2, vm0, $0xb8;
	[tilespmem:$0x10800] =	vst v63  }
0xa7: {  	s30 =	simm.s32 $0x9800  }
0xa8: {  	[tilespmem:s30], [sflag:$0x2] =	stream.indirect_vreg.gather [hbm4b:s5+s3], $0x80, v2, vm0, $0xb8;
	[tilespmem:$0x10800] =	vst v63  }
0xa9: {  	s29 =	simm.s32 $0xA000  }
0xaa: {  	[tilespmem:s29], [sflag:$0x2] =	stream.indirect_vreg.gather [hbm4b:s6+s3], $0x80, v2, vm0, $0xb8;
	[tilespmem:$0x10800] =	vst v63  }
0xab: {  	s30 =	simm.s32 $0xA800  }
0xac: {  	[tilespmem:s30], [sflag:$0x2] =	stream.indirect_vreg.gather [hbm4b:s7+s3], $0x80, v2, vm0, $0xb8;
	[tilespmem:$0x10800] =	vst v63  }
0xad: {  	s29 =	simm.s32 $0xB000  }
0xae: {  	[tilespmem:s29], [sflag:$0x2] =	stream.indirect_vreg.gather [hbm4b:s8+s3], $0x80, v2, vm0, $0xb8;
	[tilespmem:$0x10800] =	vst v63  }
0xaf: {  	s30 =	simm.s32 $0xB800  }
0xb0: {  	[tilespmem:s30], [sflag:$0x2] =	stream.indirect_vreg.gather [hbm4b:s9+s3], $0x80, v2, vm0, $0xb8;
	[tilespmem:$0x10800] =	vst v63  }
0xb1: {  	s29 =	simm.s32 $0xC000  }
0xb2: {  	[tilespmem:s29], [sflag:$0x2] =	stream.indirect_vreg.gather [hbm4b:s10+s3], $0x80, v2, vm0, $0xb8;
	[tilespmem:$0x10800] =	vst v63  }
0xb3: {  	s30 =	simm.s32 $0xC800  }
0xb4: {  	[tilespmem:s30], [sflag:$0x2] =	stream.indirect_vreg.gather [hbm4b:s11+s3], $0x80, v2, vm0, $0xb8;
	[tilespmem:$0x10800] =	vst v63  }
0xb5: {  	s22 =	simm.s32 $0xD000  }
0xb6: {  	[tilespmem:s22], [sflag:$0x2] =	stream.indirect_vreg.gather [hbm4b:s12+s3], $0x80, v2, vm0, $0xb8;
	[tilespmem:$0x10800] =	vst v63  }
0xb7: {  	s22 =	simm.s32 $0xD800  }
0xb8: {  	[tilespmem:s22], [sflag:$0x2] =	stream.indirect_vreg.gather [hbm4b:s13+s3], $0x80, v2, vm0, $0xb8;
	[tilespmem:$0x10800] =	vst v63  }
0xb9: {  	s22 =	simm.s32 $0xE000  }
0xba: {  	[tilespmem:s22], [sflag:$0x2] =	stream.indirect_vreg.gather [hbm4b:s14+s3], $0x80, v2, vm0, $0xb8;
	[tilespmem:$0x10800] =	vst v63  }
0xbb: {  	s22 =	simm.s32 $0xE800  }
0xbc: {  	[tilespmem:s22], [sflag:$0x2] =	stream.indirect_vreg.gather [hbm4b:s15+s3], $0x80, v2, vm0, $0xb8;
	[tilespmem:$0x10800] =	vst v63  }
0xbd: {  	s22 =	simm.s32 $0xF000  }
0xbe: {  	[tilespmem:s22], [sflag:$0x2] =	stream.indirect_vreg.gather [hbm4b:s16+s3], $0x80, v2, vm0, $0xb8;
	[tilespmem:$0x10800] =	vst v63  }
0xbf: {  	s22 =	simm.s32 $0xF800  }
0xc0: {  	[tilespmem:s22], [sflag:$0x2] =	stream.indirect_vreg.gather [hbm4b:s17+s3], $0x80, v2, vm0, $0xb8;
	[tilespmem:$0x10800] =	vst v63  }
0xc1: {  	s22 =	simm.s32 $0x10000  }
0xc2: {  	[tilespmem:s22], [sflag:$0x2] =	stream.indirect_vreg.gather [hbm4b:s18+s3], $0x80, v2, vm0, $0xb8;
	[tilespmem:$0x10800] =	vst v63  }
0xc3: {  	_ =	swait.ge [sflag:s31], $0x8000  }
0xc4: {  	[sflag:s31] =	ssyncset.done $0x0  }
0xc5: {  	s22 =	rddreg [dreg:$0x6];
	[sflag:s31] =	ssyncadd.s32 $0xFFFF8000  }
0xc6: {  	[hbm4b:s22+s3] =	stream.linear.scatter [tilespmem:s21], [sflag:$0x3], $0x8000, $0x38;
	[tilespmem:$0x10800] =	vst v63  }
0xc7: {  	_ =	swait.ge [sflag:s0], $0x8000  }
0xc8: {  	[sflag:s0] =	ssyncset.done $0x0  }
0xc9: {  	[sflag:s0] =	ssyncadd.s32 $0xFFFF8000  }
0xca: {  	v2 =	vld.msk [tilespmem:$0x200], $0xff;
	_ =	sdelay $0x4  }
0xcb: {  	v3 =	vshll.u32 v2, $0x5  }
0xcc: {  	v2 =	vand.u32 $0x7, v2;
	v3 =	vand.u32 $0xFFFFFF00, v3  }
0xcd: {  	v2 =	vor.u32 v2, v3  }
0xce: {  	v2 =	vperm.xlane v2, v0;
	_ =	sdelay $0x1  }
0xcf: {  	v2 =	vadd.s32 v1, v2;
	_ =	sdelay $0x4  }
0xd0: {  	[tilespmem:s21], [sflag:$0x1] =	stream.indirect_vreg.gather [hbm4b:s2+s3], $0x80, v2, vm0, $0xb8;
	[tilespmem:$0x10800] =	vst v63  }
0xd1: {  	s22 =	simm.s32 $0x1000  }
0xd2: {  	[tilespmem:s22], [sflag:$0x1] =	stream.indirect_vreg.gather [hbm4b:s4+s3], $0x80, v2, vm0, $0xb8;
	[tilespmem:$0x10800] =	vst v63  }
0xd3: {  	s22 =	simm.s32 $0x1800  }
0xd4: {  	[tilespmem:s22], [sflag:$0x1] =	stream.indirect_vreg.gather [hbm4b:s5+s3], $0x80, v2, vm0, $0xb8;
	[tilespmem:$0x10800] =	vst v63  }
0xd5: {  	s22 =	simm.s32 $0x2000  }
0xd6: {  	[tilespmem:s22], [sflag:$0x1] =	stream.indirect_vreg.gather [hbm4b:s6+s3], $0x80, v2, vm0, $0xb8;
	[tilespmem:$0x10800] =	vst v63  }
0xd7: {  	s22 =	simm.s32 $0x2800  }
0xd8: {  	[tilespmem:s22], [sflag:$0x1] =	stream.indirect_vreg.gather [hbm4b:s7+s3], $0x80, v2, vm0, $0xb8;
	[tilespmem:$0x10800] =	vst v63  }
0xd9: {  	s22 =	simm.s32 $0x3000  }
0xda: {  	[tilespmem:s22], [sflag:$0x1] =	stream.indirect_vreg.gather [hbm4b:s8+s3], $0x80, v2, vm0, $0xb8;
	[tilespmem:$0x10800] =	vst v63  }
0xdb: {  	s22 =	simm.s32 $0x3800  }
0xdc: {  	[tilespmem:s22], [sflag:$0x1] =	stream.indirect_vreg.gather [hbm4b:s9+s3], $0x80, v2, vm0, $0xb8;
	[tilespmem:$0x10800] =	vst v63  }
0xdd: {  	s22 =	simm.s32 $0x4000  }
0xde: {  	[tilespmem:s22], [sflag:$0x1] =	stream.indirect_vreg.gather [hbm4b:s10+s3], $0x80, v2, vm0, $0xb8;
	[tilespmem:$0x10800] =	vst v63  }
0xdf: {  	s22 =	simm.s32 $0x4800  }
0xe0: {  	[tilespmem:s22], [sflag:$0x1] =	stream.indirect_vreg.gather [hbm4b:s11+s3], $0x80, v2, vm0, $0xb8;
	[tilespmem:$0x10800] =	vst v63  }
0xe1: {  	s19 =	simm.s32 $0x5000  }
0xe2: {  	[tilespmem:s19], [sflag:$0x1] =	stream.indirect_vreg.gather [hbm4b:s12+s3], $0x80, v2, vm0, $0xb8;
	[tilespmem:$0x10800] =	vst v63  }
0xe3: {  	s23 =	simm.s32 $0x5800  }
0xe4: {  	[tilespmem:s23], [sflag:$0x1] =	stream.indirect_vreg.gather [hbm4b:s13+s3], $0x80, v2, vm0, $0xb8;
	[tilespmem:$0x10800] =	vst v63  }
0xe5: {  	s24 =	simm.s32 $0x6000  }
0xe6: {  	[tilespmem:s24], [sflag:$0x1] =	stream.indirect_vreg.gather [hbm4b:s14+s3], $0x80, v2, vm0, $0xb8;
	[tilespmem:$0x10800] =	vst v63  }
0xe7: {  	s26 =	simm.s32 $0x6800  }
0xe8: {  	[tilespmem:s26], [sflag:$0x1] =	stream.indirect_vreg.gather [hbm4b:s15+s3], $0x80, v2, vm0, $0xb8;
	[tilespmem:$0x10800] =	vst v63  }
0xe9: {  	s28 =	simm.s32 $0x7000  }
0xea: {  	[tilespmem:s28], [sflag:$0x1] =	stream.indirect_vreg.gather [hbm4b:s16+s3], $0x80, v2, vm0, $0xb8;
	[tilespmem:$0x10800] =	vst v63  }
0xeb: {  	s23 =	simm.s32 $0x7800  }
0xec: {  	[tilespmem:s23], [sflag:$0x1] =	stream.indirect_vreg.gather [hbm4b:s17+s3], $0x80, v2, vm0, $0xb8;
	[tilespmem:$0x10800] =	vst v63  }
0xed: {  	s24 =	simm.s32 $0x8000  }
0xee: {  	[tilespmem:s24], [sflag:$0x1] =	stream.indirect_vreg.gather [hbm4b:s18+s3], $0x80, v2, vm0, $0xb8;
	[tilespmem:$0x10800] =	vst v63  }
0xef: {  	_ =	swait.ge [sflag:s1], $0x8000  }
0xf0: {  	[sflag:s1] =	ssyncset.done $0x0  }
0xf1: {  	s26 =	rddreg [dreg:$0x7];
	[sflag:s1] =	ssyncadd.s32 $0xFFFF8000  }
0xf2: {  	[hbm4b:s26+s3] =	stream.linear.scatter [tilespmem:s25], [sflag:$0x4], $0x8000, $0x38;
	[tilespmem:$0x10800] =	vst v63  }
0xf3: {  	_ =	swait.ge [sflag:s20], $0x8000  }
0xf4: {  	[sflag:s20] =	ssyncset.done $0x0  }
0xf5: {  	[sflag:s20] =	ssyncadd.s32 $0xFFFF8000  }
0xf6: {  	v2 =	vld.msk [tilespmem:$0x280], $0xff;
	_ =	sdelay $0x4  }
0xf7: {  	v3 =	vshll.u32 v2, $0x5  }
0xf8: {  	v2 =	vand.u32 $0x7, v2;
	v3 =	vand.u32 $0xFFFFFF00, v3  }
0xf9: {  	v2 =	vor.u32 v2, v3  }
0xfa: {  	v2 =	vperm.xlane v2, v0;
	_ =	sdelay $0x1  }
0xfb: {  	v2 =	vadd.s32 v1, v2;
	_ =	sdelay $0x4  }
0xfc: {  	[tilespmem:s25], [sflag:$0x2] =	stream.indirect_vreg.gather [hbm4b:s2+s3], $0x80, v2, vm0, $0xb8;
	[tilespmem:$0x10800] =	vst v63  }
0xfd: {  	s28 =	simm.s32 $0x9000  }
0xfe: {  	[tilespmem:s28], [sflag:$0x2] =	stream.indirect_vreg.gather [hbm4b:s4+s3], $0x80, v2, vm0, $0xb8;
	[tilespmem:$0x10800] =	vst v63  }
0xff: {  	s22 =	simm.s32 $0x9800  }
0x100: {  	[tilespmem:s22], [sflag:$0x2] =	stream.indirect_vreg.gather [hbm4b:s5+s3], $0x80, v2, vm0, $0xb8;
	[tilespmem:$0x10800] =	vst v63  }
0x101: {  	s23 =	simm.s32 $0xA000  }
0x102: {  	[tilespmem:s23], [sflag:$0x2] =	stream.indirect_vreg.gather [hbm4b:s6+s3], $0x80, v2, vm0, $0xb8;
	[tilespmem:$0x10800] =	vst v63  }
0x103: {  	s26 =	simm.s32 $0xA800  }
0x104: {  	[tilespmem:s26], [sflag:$0x2] =	stream.indirect_vreg.gather [hbm4b:s7+s3], $0x80, v2, vm0, $0xb8;
	[tilespmem:$0x10800] =	vst v63  }
0x105: {  	s28 =	simm.s32 $0xB000  }
0x106: {  	[tilespmem:s28], [sflag:$0x2] =	stream.indirect_vreg.gather [hbm4b:s8+s3], $0x80, v2, vm0, $0xb8;
	[tilespmem:$0x10800] =	vst v63  }
0x107: {  	s22 =	simm.s32 $0xB800  }
0x108: {  	[tilespmem:s22], [sflag:$0x2] =	stream.indirect_vreg.gather [hbm4b:s9+s3], $0x80, v2, vm0, $0xb8;
	[tilespmem:$0x10800] =	vst v63  }
0x109: {  	s29 =	simm.s32 $0xC000  }
0x10a: {  	[tilespmem:s29], [sflag:$0x2] =	stream.indirect_vreg.gather [hbm4b:s10+s3], $0x80, v2, vm0, $0xb8;
	[tilespmem:$0x10800] =	vst v63  }
0x10b: {  	s30 =	simm.s32 $0xC800  }
0x10c: {  	[tilespmem:s30], [sflag:$0x2] =	stream.indirect_vreg.gather [hbm4b:s11+s3], $0x80, v2, vm0, $0xb8;
	[tilespmem:$0x10800] =	vst v63  }
0x10d: {  	s22 =	simm.s32 $0xD000  }
0x10e: {  	[tilespmem:s22], [sflag:$0x2] =	stream.indirect_vreg.gather [hbm4b:s12+s3], $0x80, v2, vm0, $0xb8;
	[tilespmem:$0x10800] =	vst v63  }
0x10f: {  	s22 =	simm.s32 $0xD800  }
0x110: {  	[tilespmem:s22], [sflag:$0x2] =	stream.indirect_vreg.gather [hbm4b:s13+s3], $0x80, v2, vm0, $0xb8;
	[tilespmem:$0x10800] =	vst v63  }
0x111: {  	s22 =	simm.s32 $0xE000  }
0x112: {  	[tilespmem:s22], [sflag:$0x2] =	stream.indirect_vreg.gather [hbm4b:s14+s3], $0x80, v2, vm0, $0xb8;
	[tilespmem:$0x10800] =	vst v63  }
0x113: {  	s22 =	simm.s32 $0xE800  }
0x114: {  	[tilespmem:s22], [sflag:$0x2] =	stream.indirect_vreg.gather [hbm4b:s15+s3], $0x80, v2, vm0, $0xb8;
	[tilespmem:$0x10800] =	vst v63  }
0x115: {  	s22 =	simm.s32 $0xF000  }
0x116: {  	[tilespmem:s22], [sflag:$0x2] =	stream.indirect_vreg.gather [hbm4b:s16+s3], $0x80, v2, vm0, $0xb8;
	[tilespmem:$0x10800] =	vst v63  }
0x117: {  	s22 =	simm.s32 $0xF800  }
0x118: {  	[tilespmem:s22], [sflag:$0x2] =	stream.indirect_vreg.gather [hbm4b:s17+s3], $0x80, v2, vm0, $0xb8;
	[tilespmem:$0x10800] =	vst v63  }
0x119: {  	s22 =	simm.s32 $0x10000  }
0x11a: {  	[tilespmem:s22], [sflag:$0x2] =	stream.indirect_vreg.gather [hbm4b:s18+s3], $0x80, v2, vm0, $0xb8;
	[tilespmem:$0x10800] =	vst v63  }
0x11b: {  	_ =	swait.ge [sflag:s31], $0x8000  }
0x11c: {  	[sflag:s31] =	ssyncset.done $0x0  }
0x11d: {  	s22 =	rddreg [dreg:$0x8];
	[sflag:s31] =	ssyncadd.s32 $0xFFFF8000  }
0x11e: {  	[hbm4b:s22+s3] =	stream.linear.scatter [tilespmem:s21], [sflag:$0x3], $0x8000, $0x38;
	[tilespmem:$0x10800] =	vst v63  }
0x11f: {  	_ =	swait.ge [sflag:s0], $0x8000  }
0x120: {  	[sflag:s0] =	ssyncset.done $0x0  }
0x121: {  	[sflag:s0] =	ssyncadd.s32 $0xFFFF8000  }
0x122: {  	v2 =	vld.msk [tilespmem:$0x300], $0xff;
	_ =	sdelay $0x4  }
0x123: {  	v3 =	vshll.u32 v2, $0x5  }
0x124: {  	v2 =	vand.u32 $0x7, v2;
	v3 =	vand.u32 $0xFFFFFF00, v3  }
0x125: {  	v2 =	vor.u32 v2, v3  }
0x126: {  	v2 =	vperm.xlane v2, v0;
	_ =	sdelay $0x1  }
0x127: {  	v2 =	vadd.s32 v1, v2;
	_ =	sdelay $0x4  }
0x128: {  	[tilespmem:s21], [sflag:$0x1] =	stream.indirect_vreg.gather [hbm4b:s2+s3], $0x80, v2, vm0, $0xb8;
	[tilespmem:$0x10800] =	vst v63  }
0x129: {  	s22 =	simm.s32 $0x1000  }
0x12a: {  	[tilespmem:s22], [sflag:$0x1] =	stream.indirect_vreg.gather [hbm4b:s4+s3], $0x80, v2, vm0, $0xb8;
	[tilespmem:$0x10800] =	vst v63  }
0x12b: {  	s22 =	simm.s32 $0x1800  }
0x12c: {  	[tilespmem:s22], [sflag:$0x1] =	stream.indirect_vreg.gather [hbm4b:s5+s3], $0x80, v2, vm0, $0xb8;
	[tilespmem:$0x10800] =	vst v63  }
0x12d: {  	s22 =	simm.s32 $0x2000  }
0x12e: {  	[tilespmem:s22], [sflag:$0x1] =	stream.indirect_vreg.gather [hbm4b:s6+s3], $0x80, v2, vm0, $0xb8;
	[tilespmem:$0x10800] =	vst v63  }
0x12f: {  	s22 =	simm.s32 $0x2800  }
0x130: {  	[tilespmem:s22], [sflag:$0x1] =	stream.indirect_vreg.gather [hbm4b:s7+s3], $0x80, v2, vm0, $0xb8;
	[tilespmem:$0x10800] =	vst v63  }
0x131: {  	s22 =	simm.s32 $0x3000  }
0x132: {  	[tilespmem:s22], [sflag:$0x1] =	stream.indirect_vreg.gather [hbm4b:s8+s3], $0x80, v2, vm0, $0xb8;
	[tilespmem:$0x10800] =	vst v63  }
0x133: {  	s22 =	simm.s32 $0x3800  }
0x134: {  	[tilespmem:s22], [sflag:$0x1] =	stream.indirect_vreg.gather [hbm4b:s9+s3], $0x80, v2, vm0, $0xb8;
	[tilespmem:$0x10800] =	vst v63  }
0x135: {  	s22 =	simm.s32 $0x4000  }
0x136: {  	[tilespmem:s22], [sflag:$0x1] =	stream.indirect_vreg.gather [hbm4b:s10+s3], $0x80, v2, vm0, $0xb8;
	[tilespmem:$0x10800] =	vst v63  }
0x137: {  	s22 =	simm.s32 $0x4800  }
0x138: {  	[tilespmem:s22], [sflag:$0x1] =	stream.indirect_vreg.gather [hbm4b:s11+s3], $0x80, v2, vm0, $0xb8;
	[tilespmem:$0x10800] =	vst v63  }
0x139: {  	s22 =	simm.s32 $0x5000  }
0x13a: {  	[tilespmem:s22], [sflag:$0x1] =	stream.indirect_vreg.gather [hbm4b:s12+s3], $0x80, v2, vm0, $0xb8;
	[tilespmem:$0x10800] =	vst v63  }
0x13b: {  	s22 =	simm.s32 $0x5800  }
0x13c: {  	[tilespmem:s22], [sflag:$0x1] =	stream.indirect_vreg.gather [hbm4b:s13+s3], $0x80, v2, vm0, $0xb8;
	[tilespmem:$0x10800] =	vst v63  }
0x13d: {  	s22 =	simm.s32 $0x6000  }
0x13e: {  	[tilespmem:s22], [sflag:$0x1] =	stream.indirect_vreg.gather [hbm4b:s14+s3], $0x80, v2, vm0, $0xb8;
	[tilespmem:$0x10800] =	vst v63  }
0x13f: {  	s22 =	simm.s32 $0x6800  }
0x140: {  	[tilespmem:s22], [sflag:$0x1] =	stream.indirect_vreg.gather [hbm4b:s15+s3], $0x80, v2, vm0, $0xb8;
	[tilespmem:$0x10800] =	vst v63  }
0x141: {  	s22 =	simm.s32 $0x7000  }
0x142: {  	[tilespmem:s22], [sflag:$0x1] =	stream.indirect_vreg.gather [hbm4b:s16+s3], $0x80, v2, vm0, $0xb8;
	[tilespmem:$0x10800] =	vst v63  }
0x143: {  	s22 =	simm.s32 $0x7800  }
0x144: {  	[tilespmem:s22], [sflag:$0x1] =	stream.indirect_vreg.gather [hbm4b:s17+s3], $0x80, v2, vm0, $0xb8;
	[tilespmem:$0x10800] =	vst v63  }
0x145: {  	s22 =	simm.s32 $0x8000  }
0x146: {  	[tilespmem:s22], [sflag:$0x1] =	stream.indirect_vreg.gather [hbm4b:s18+s3], $0x80, v2, vm0, $0xb8;
	[tilespmem:$0x10800] =	vst v63  }
0x147: {  	_ =	swait.ge [sflag:s1], $0x8000  }
0x148: {  	[sflag:s1] =	ssyncset.done $0x0  }
0x149: {  	s22 =	rddreg [dreg:$0x9];
	[sflag:s1] =	ssyncadd.s32 $0xFFFF8000  }
0x14a: {  	[hbm4b:s22+s3] =	stream.linear.scatter [tilespmem:s25], [sflag:$0x4], $0x8000, $0x38;
	[tilespmem:$0x10800] =	vst v63  }
0x14b: {  	_ =	swait.ge [sflag:s20], $0x8000  }
0x14c: {  	[sflag:s20] =	ssyncset.done $0x0  }
0x14d: {  	[sflag:s20] =	ssyncadd.s32 $0xFFFF8000  }
0x14e: {  	v2 =	vld.msk [tilespmem:$0x380], $0xff;
	_ =	sdelay $0x4  }
0x14f: {  	v3 =	vshll.u32 v2, $0x5  }
0x150: {  	v2 =	vand.u32 $0x7, v2;
	v3 =	vand.u32 $0xFFFFFF00, v3  }
0x151: {  	v2 =	vor.u32 v2, v3  }
0x152: {  	v2 =	vperm.xlane v2, v0;
	_ =	sdelay $0x1  }
0x153: {  	v2 =	vadd.s32 v1, v2;
	_ =	sdelay $0x4  }
0x154: {  	[tilespmem:s25], [sflag:$0x2] =	stream.indirect_vreg.gather [hbm4b:s2+s3], $0x80, v2, vm0, $0xb8;
	[tilespmem:$0x10800] =	vst v63  }
0x155: {  	s24 =	simm.s32 $0x9000  }
0x156: {  	[tilespmem:s24], [sflag:$0x2] =	stream.indirect_vreg.gather [hbm4b:s4+s3], $0x80, v2, vm0, $0xb8;
	[tilespmem:$0x10800] =	vst v63  }
0x157: {  	s19 =	simm.s32 $0x9800  }
0x158: {  	[tilespmem:s19], [sflag:$0x2] =	stream.indirect_vreg.gather [hbm4b:s5+s3], $0x80, v2, vm0, $0xb8;
	[tilespmem:$0x10800] =	vst v63  }
0x159: {  	s23 =	simm.s32 $0xA000  }
0x15a: {  	[tilespmem:s23], [sflag:$0x2] =	stream.indirect_vreg.gather [hbm4b:s6+s3], $0x80, v2, vm0, $0xb8;
	[tilespmem:$0x10800] =	vst v63  }
0x15b: {  	s26 =	simm.s32 $0xA800  }
0x15c: {  	[tilespmem:s26], [sflag:$0x2] =	stream.indirect_vreg.gather [hbm4b:s7+s3], $0x80, v2, vm0, $0xb8;
	[tilespmem:$0x10800] =	vst v63  }
0x15d: {  	s28 =	simm.s32 $0xB000  }
0x15e: {  	[tilespmem:s28], [sflag:$0x2] =	stream.indirect_vreg.gather [hbm4b:s8+s3], $0x80, v2, vm0, $0xb8;
	[tilespmem:$0x10800] =	vst v63  }
0x15f: {  	s23 =	simm.s32 $0xB800  }
0x160: {  	[tilespmem:s23], [sflag:$0x2] =	stream.indirect_vreg.gather [hbm4b:s9+s3], $0x80, v2, vm0, $0xb8;
	[tilespmem:$0x10800] =	vst v63  }
0x161: {  	s29 =	simm.s32 $0xC000  }
0x162: {  	[tilespmem:s29], [sflag:$0x2] =	stream.indirect_vreg.gather [hbm4b:s10+s3], $0x80, v2, vm0, $0xb8;
	[tilespmem:$0x10800] =	vst v63  }
0x163: {  	s30 =	simm.s32 $0xC800  }
0x164: {  	[tilespmem:s30], [sflag:$0x2] =	stream.indirect_vreg.gather [hbm4b:s11+s3], $0x80, v2, vm0, $0xb8;
	[tilespmem:$0x10800] =	vst v63  }
0x165: {  	s22 =	simm.s32 $0xD000  }
0x166: {  	[tilespmem:s22], [sflag:$0x2] =	stream.indirect_vreg.gather [hbm4b:s12+s3], $0x80, v2, vm0, $0xb8;
	[tilespmem:$0x10800] =	vst v63  }
0x167: {  	s22 =	simm.s32 $0xD800  }
0x168: {  	[tilespmem:s22], [sflag:$0x2] =	stream.indirect_vreg.gather [hbm4b:s13+s3], $0x80, v2, vm0, $0xb8;
	[tilespmem:$0x10800] =	vst v63  }
0x169: {  	s22 =	simm.s32 $0xE000  }
0x16a: {  	[tilespmem:s22], [sflag:$0x2] =	stream.indirect_vreg.gather [hbm4b:s14+s3], $0x80, v2, vm0, $0xb8;
	[tilespmem:$0x10800] =	vst v63  }
0x16b: {  	s22 =	simm.s32 $0xE800  }
0x16c: {  	[tilespmem:s22], [sflag:$0x2] =	stream.indirect_vreg.gather [hbm4b:s15+s3], $0x80, v2, vm0, $0xb8;
	[tilespmem:$0x10800] =	vst v63  }
0x16d: {  	s22 =	simm.s32 $0xF000  }
0x16e: {  	[tilespmem:s22], [sflag:$0x2] =	stream.indirect_vreg.gather [hbm4b:s16+s3], $0x80, v2, vm0, $0xb8;
	[tilespmem:$0x10800] =	vst v63  }
0x16f: {  	s22 =	simm.s32 $0xF800  }
0x170: {  	[tilespmem:s22], [sflag:$0x2] =	stream.indirect_vreg.gather [hbm4b:s17+s3], $0x80, v2, vm0, $0xb8;
	[tilespmem:$0x10800] =	vst v63  }
0x171: {  	s22 =	simm.s32 $0x10000  }
0x172: {  	[tilespmem:s22], [sflag:$0x2] =	stream.indirect_vreg.gather [hbm4b:s18+s3], $0x80, v2, vm0, $0xb8;
	[tilespmem:$0x10800] =	vst v63  }
0x173: {  	_ =	swait.ge [sflag:s31], $0x8000  }
0x174: {  	[sflag:s31] =	ssyncset.done $0x0  }
0x175: {  	s22 =	rddreg [dreg:$0xa];
	[sflag:s31] =	ssyncadd.s32 $0xFFFF8000  }
0x176: {  	[hbm4b:s22+s3] =	stream.linear.scatter [tilespmem:s21], [sflag:$0x3], $0x8000, $0x38;
	[tilespmem:$0x10800] =	vst v63  }
0x177: {  	_ =	swait.ge [sflag:s0], $0x8000  }
0x178: {  	[sflag:s0] =	ssyncset.done $0x0  }
0x179: {  	[sflag:s0] =	ssyncadd.s32 $0xFFFF8000  }
0x17a: {  	v2 =	vld.msk [tilespmem:$0x400], $0xff;
	_ =	sdelay $0x4  }
0x17b: {  	v3 =	vshll.u32 v2, $0x5  }
0x17c: {  	v2 =	vand.u32 $0x7, v2;
	v3 =	vand.u32 $0xFFFFFF00, v3  }
0x17d: {  	v2 =	vor.u32 v2, v3  }
0x17e: {  	v2 =	vperm.xlane v2, v0;
	_ =	sdelay $0x1  }
0x17f: {  	v2 =	vadd.s32 v1, v2;
	_ =	sdelay $0x4  }
0x180: {  	[tilespmem:s21], [sflag:$0x1] =	stream.indirect_vreg.gather [hbm4b:s2+s3], $0x80, v2, vm0, $0xb8;
	[tilespmem:$0x10800] =	vst v63  }
0x181: {  	s22 =	simm.s32 $0x1000  }
0x182: {  	[tilespmem:s22], [sflag:$0x1] =	stream.indirect_vreg.gather [hbm4b:s4+s3], $0x80, v2, vm0, $0xb8;
	[tilespmem:$0x10800] =	vst v63  }
0x183: {  	s22 =	simm.s32 $0x1800  }
0x184: {  	[tilespmem:s22], [sflag:$0x1] =	stream.indirect_vreg.gather [hbm4b:s5+s3], $0x80, v2, vm0, $0xb8;
	[tilespmem:$0x10800] =	vst v63  }
0x185: {  	s22 =	simm.s32 $0x2000  }
0x186: {  	[tilespmem:s22], [sflag:$0x1] =	stream.indirect_vreg.gather [hbm4b:s6+s3], $0x80, v2, vm0, $0xb8;
	[tilespmem:$0x10800] =	vst v63  }
0x187: {  	s22 =	simm.s32 $0x2800  }
0x188: {  	[tilespmem:s22], [sflag:$0x1] =	stream.indirect_vreg.gather [hbm4b:s7+s3], $0x80, v2, vm0, $0xb8;
	[tilespmem:$0x10800] =	vst v63  }
0x189: {  	s22 =	simm.s32 $0x3000  }
0x18a: {  	[tilespmem:s22], [sflag:$0x1] =	stream.indirect_vreg.gather [hbm4b:s8+s3], $0x80, v2, vm0, $0xb8;
	[tilespmem:$0x10800] =	vst v63  }
0x18b: {  	s22 =	simm.s32 $0x3800  }
0x18c: {  	[tilespmem:s22], [sflag:$0x1] =	stream.indirect_vreg.gather [hbm4b:s9+s3], $0x80, v2, vm0, $0xb8;
	[tilespmem:$0x10800] =	vst v63  }
0x18d: {  	s22 =	simm.s32 $0x4000  }
0x18e: {  	[tilespmem:s22], [sflag:$0x1] =	stream.indirect_vreg.gather [hbm4b:s10+s3], $0x80, v2, vm0, $0xb8;
	[tilespmem:$0x10800] =	vst v63  }
0x18f: {  	s22 =	simm.s32 $0x4800  }
0x190: {  	[tilespmem:s22], [sflag:$0x1] =	stream.indirect_vreg.gather [hbm4b:s11+s3], $0x80, v2, vm0, $0xb8;
	[tilespmem:$0x10800] =	vst v63  }
0x191: {  	s22 =	simm.s32 $0x5000  }
0x192: {  	[tilespmem:s22], [sflag:$0x1] =	stream.indirect_vreg.gather [hbm4b:s12+s3], $0x80, v2, vm0, $0xb8;
	[tilespmem:$0x10800] =	vst v63  }
0x193: {  	s22 =	simm.s32 $0x5800  }
0x194: {  	[tilespmem:s22], [sflag:$0x1] =	stream.indirect_vreg.gather [hbm4b:s13+s3], $0x80, v2, vm0, $0xb8;
	[tilespmem:$0x10800] =	vst v63  }
0x195: {  	s22 =	simm.s32 $0x6000  }
0x196: {  	[tilespmem:s22], [sflag:$0x1] =	stream.indirect_vreg.gather [hbm4b:s14+s3], $0x80, v2, vm0, $0xb8;
	[tilespmem:$0x10800] =	vst v63  }
0x197: {  	s22 =	simm.s32 $0x6800  }
0x198: {  	[tilespmem:s22], [sflag:$0x1] =	stream.indirect_vreg.gather [hbm4b:s15+s3], $0x80, v2, vm0, $0xb8;
	[tilespmem:$0x10800] =	vst v63  }
0x199: {  	s22 =	simm.s32 $0x7000  }
0x19a: {  	[tilespmem:s22], [sflag:$0x1] =	stream.indirect_vreg.gather [hbm4b:s16+s3], $0x80, v2, vm0, $0xb8;
	[tilespmem:$0x10800] =	vst v63  }
0x19b: {  	s22 =	simm.s32 $0x7800  }
0x19c: {  	[tilespmem:s22], [sflag:$0x1] =	stream.indirect_vreg.gather [hbm4b:s17+s3], $0x80, v2, vm0, $0xb8;
	[tilespmem:$0x10800] =	vst v63  }
0x19d: {  	s22 =	simm.s32 $0x8000  }
0x19e: {  	[tilespmem:s22], [sflag:$0x1] =	stream.indirect_vreg.gather [hbm4b:s18+s3], $0x80, v2, vm0, $0xb8;
	[tilespmem:$0x10800] =	vst v63  }
0x19f: {  	_ =	swait.ge [sflag:s1], $0x8000  }
0x1a0: {  	[sflag:s1] =	ssyncset.done $0x0  }
0x1a1: {  	s22 =	rddreg [dreg:$0xb];
	[sflag:s1] =	ssyncadd.s32 $0xFFFF8000  }
0x1a2: {  	[hbm4b:s22+s3] =	stream.linear.scatter [tilespmem:s25], [sflag:$0x4], $0x8000, $0x38;
	[tilespmem:$0x10800] =	vst v63  }
0x1a3: {  	_ =	swait.ge [sflag:s20], $0x8000  }
0x1a4: {  	[sflag:s20] =	ssyncset.done $0x0  }
0x1a5: {  	[sflag:s20] =	ssyncadd.s32 $0xFFFF8000  }
0x1a6: {  	v2 =	vld.msk [tilespmem:$0x480], $0xff;
	_ =	sdelay $0x4  }
0x1a7: {  	v3 =	vshll.u32 v2, $0x5  }
0x1a8: {  	v2 =	vand.u32 $0x7, v2;
	v3 =	vand.u32 $0xFFFFFF00, v3  }
0x1a9: {  	v2 =	vor.u32 v2, v3  }
0x1aa: {  	v2 =	vperm.xlane v2, v0;
	_ =	sdelay $0x1  }
0x1ab: {  	v2 =	vadd.s32 v1, v2;
	_ =	sdelay $0x4  }
0x1ac: {  	[tilespmem:s25], [sflag:$0x2] =	stream.indirect_vreg.gather [hbm4b:s2+s3], $0x80, v2, vm0, $0xb8;
	[tilespmem:$0x10800] =	vst v63  }
0x1ad: {  	s22 =	simm.s32 $0x9000  }
0x1ae: {  	[tilespmem:s22], [sflag:$0x2] =	stream.indirect_vreg.gather [hbm4b:s4+s3], $0x80, v2, vm0, $0xb8;
	[tilespmem:$0x10800] =	vst v63  }
0x1af: {  	s24 =	simm.s32 $0x9800  }
0x1b0: {  	[tilespmem:s24], [sflag:$0x2] =	stream.indirect_vreg.gather [hbm4b:s5+s3], $0x80, v2, vm0, $0xb8;
	[tilespmem:$0x10800] =	vst v63  }
0x1b1: {  	s19 =	simm.s32 $0xA000  }
0x1b2: {  	[tilespmem:s19], [sflag:$0x2] =	stream.indirect_vreg.gather [hbm4b:s6+s3], $0x80, v2, vm0, $0xb8;
	[tilespmem:$0x10800] =	vst v63  }
0x1b3: {  	s26 =	simm.s32 $0xA800  }
0x1b4: {  	[tilespmem:s26], [sflag:$0x2] =	stream.indirect_vreg.gather [hbm4b:s7+s3], $0x80, v2, vm0, $0xb8;
	[tilespmem:$0x10800] =	vst v63  }
0x1b5: {  	s28 =	simm.s32 $0xB000  }
0x1b6: {  	[tilespmem:s28], [sflag:$0x2] =	stream.indirect_vreg.gather [hbm4b:s8+s3], $0x80, v2, vm0, $0xb8;
	[tilespmem:$0x10800] =	vst v63  }
0x1b7: {  	s23 =	simm.s32 $0xB800  }
0x1b8: {  	[tilespmem:s23], [sflag:$0x2] =	stream.indirect_vreg.gather [hbm4b:s9+s3], $0x80, v2, vm0, $0xb8;
	[tilespmem:$0x10800] =	vst v63  }
0x1b9: {  	s29 =	simm.s32 $0xC000  }
0x1ba: {  	[tilespmem:s29], [sflag:$0x2] =	stream.indirect_vreg.gather [hbm4b:s10+s3], $0x80, v2, vm0, $0xb8;
	[tilespmem:$0x10800] =	vst v63  }
0x1bb: {  	s30 =	simm.s32 $0xC800  }
0x1bc: {  	[tilespmem:s30], [sflag:$0x2] =	stream.indirect_vreg.gather [hbm4b:s11+s3], $0x80, v2, vm0, $0xb8;
	[tilespmem:$0x10800] =	vst v63  }
0x1bd: {  	s30 =	simm.s32 $0xD000  }
0x1be: {  	[tilespmem:s30], [sflag:$0x2] =	stream.indirect_vreg.gather [hbm4b:s12+s3], $0x80, v2, vm0, $0xb8;
	[tilespmem:$0x10800] =	vst v63  }
0x1bf: {  	s22 =	simm.s32 $0xD800  }
0x1c0: {  	[tilespmem:s22], [sflag:$0x2] =	stream.indirect_vreg.gather [hbm4b:s13+s3], $0x80, v2, vm0, $0xb8;
	[tilespmem:$0x10800] =	vst v63  }
0x1c1: {  	s22 =	simm.s32 $0xE000  }
0x1c2: {  	[tilespmem:s22], [sflag:$0x2] =	stream.indirect_vreg.gather [hbm4b:s14+s3], $0x80, v2, vm0, $0xb8;
	[tilespmem:$0x10800] =	vst v63  }
0x1c3: {  	s22 =	simm.s32 $0xE800  }
0x1c4: {  	[tilespmem:s22], [sflag:$0x2] =	stream.indirect_vreg.gather [hbm4b:s15+s3], $0x80, v2, vm0, $0xb8;
	[tilespmem:$0x10800] =	vst v63  }
0x1c5: {  	s22 =	simm.s32 $0xF000  }
0x1c6: {  	[tilespmem:s22], [sflag:$0x2] =	stream.indirect_vreg.gather [hbm4b:s16+s3], $0x80, v2, vm0, $0xb8;
	[tilespmem:$0x10800] =	vst v63  }
0x1c7: {  	s22 =	simm.s32 $0xF800  }
0x1c8: {  	[tilespmem:s22], [sflag:$0x2] =	stream.indirect_vreg.gather [hbm4b:s17+s3], $0x80, v2, vm0, $0xb8;
	[tilespmem:$0x10800] =	vst v63  }
0x1c9: {  	s22 =	simm.s32 $0x10000  }
0x1ca: {  	[tilespmem:s22], [sflag:$0x2] =	stream.indirect_vreg.gather [hbm4b:s18+s3], $0x80, v2, vm0, $0xb8;
	[tilespmem:$0x10800] =	vst v63  }
0x1cb: {  	_ =	swait.ge [sflag:s31], $0x8000  }
0x1cc: {  	[sflag:s31] =	ssyncset.done $0x0  }
0x1cd: {  	s22 =	rddreg [dreg:$0xc];
	[sflag:s31] =	ssyncadd.s32 $0xFFFF8000  }
0x1ce: {  	[hbm4b:s22+s3] =	stream.linear.scatter [tilespmem:s21], [sflag:$0x3], $0x8000, $0x38;
	[tilespmem:$0x10800] =	vst v63  }
0x1cf: {  	_ =	swait.ge [sflag:s0], $0x8000  }
0x1d0: {  	[sflag:s0] =	ssyncset.done $0x0  }
0x1d1: {  	[sflag:s0] =	ssyncadd.s32 $0xFFFF8000  }
0x1d2: {  	v2 =	vld.msk [tilespmem:$0x500], $0xff;
	_ =	sdelay $0x4  }
0x1d3: {  	v3 =	vshll.u32 v2, $0x5  }
0x1d4: {  	v2 =	vand.u32 $0x7, v2;
	v3 =	vand.u32 $0xFFFFFF00, v3  }
0x1d5: {  	v2 =	vor.u32 v2, v3  }
0x1d6: {  	v2 =	vperm.xlane v2, v0;
	_ =	sdelay $0x1  }
0x1d7: {  	v2 =	vadd.s32 v1, v2;
	_ =	sdelay $0x4  }
0x1d8: {  	[tilespmem:s21], [sflag:$0x1] =	stream.indirect_vreg.gather [hbm4b:s2+s3], $0x80, v2, vm0, $0xb8;
	[tilespmem:$0x10800] =	vst v63  }
0x1d9: {  	s22 =	simm.s32 $0x1000  }
0x1da: {  	[tilespmem:s22], [sflag:$0x1] =	stream.indirect_vreg.gather [hbm4b:s4+s3], $0x80, v2, vm0, $0xb8;
	[tilespmem:$0x10800] =	vst v63  }
0x1db: {  	s22 =	simm.s32 $0x1800  }
0x1dc: {  	[tilespmem:s22], [sflag:$0x1] =	stream.indirect_vreg.gather [hbm4b:s5+s3], $0x80, v2, vm0, $0xb8;
	[tilespmem:$0x10800] =	vst v63  }
0x1dd: {  	s22 =	simm.s32 $0x2000  }
0x1de: {  	[tilespmem:s22], [sflag:$0x1] =	stream.indirect_vreg.gather [hbm4b:s6+s3], $0x80, v2, vm0, $0xb8;
	[tilespmem:$0x10800] =	vst v63  }
0x1df: {  	s22 =	simm.s32 $0x2800  }
0x1e0: {  	[tilespmem:s22], [sflag:$0x1] =	stream.indirect_vreg.gather [hbm4b:s7+s3], $0x80, v2, vm0, $0xb8;
	[tilespmem:$0x10800] =	vst v63  }
0x1e1: {  	s22 =	simm.s32 $0x3000  }
0x1e2: {  	[tilespmem:s22], [sflag:$0x1] =	stream.indirect_vreg.gather [hbm4b:s8+s3], $0x80, v2, vm0, $0xb8;
	[tilespmem:$0x10800] =	vst v63  }
0x1e3: {  	s22 =	simm.s32 $0x3800  }
0x1e4: {  	[tilespmem:s22], [sflag:$0x1] =	stream.indirect_vreg.gather [hbm4b:s9+s3], $0x80, v2, vm0, $0xb8;
	[tilespmem:$0x10800] =	vst v63  }
0x1e5: {  	s22 =	simm.s32 $0x4000  }
0x1e6: {  	[tilespmem:s22], [sflag:$0x1] =	stream.indirect_vreg.gather [hbm4b:s10+s3], $0x80, v2, vm0, $0xb8;
	[tilespmem:$0x10800] =	vst v63  }
0x1e7: {  	s22 =	simm.s32 $0x4800  }
0x1e8: {  	[tilespmem:s22], [sflag:$0x1] =	stream.indirect_vreg.gather [hbm4b:s11+s3], $0x80, v2, vm0, $0xb8;
	[tilespmem:$0x10800] =	vst v63  }
0x1e9: {  	s22 =	simm.s32 $0x5000  }
0x1ea: {  	[tilespmem:s22], [sflag:$0x1] =	stream.indirect_vreg.gather [hbm4b:s12+s3], $0x80, v2, vm0, $0xb8;
	[tilespmem:$0x10800] =	vst v63  }
0x1eb: {  	s22 =	simm.s32 $0x5800  }
0x1ec: {  	[tilespmem:s22], [sflag:$0x1] =	stream.indirect_vreg.gather [hbm4b:s13+s3], $0x80, v2, vm0, $0xb8;
	[tilespmem:$0x10800] =	vst v63  }
0x1ed: {  	s22 =	simm.s32 $0x6000  }
0x1ee: {  	[tilespmem:s22], [sflag:$0x1] =	stream.indirect_vreg.gather [hbm4b:s14+s3], $0x80, v2, vm0, $0xb8;
	[tilespmem:$0x10800] =	vst v63  }
0x1ef: {  	s22 =	simm.s32 $0x6800  }
0x1f0: {  	[tilespmem:s22], [sflag:$0x1] =	stream.indirect_vreg.gather [hbm4b:s15+s3], $0x80, v2, vm0, $0xb8;
	[tilespmem:$0x10800] =	vst v63  }
0x1f1: {  	s22 =	simm.s32 $0x7000  }
0x1f2: {  	[tilespmem:s22], [sflag:$0x1] =	stream.indirect_vreg.gather [hbm4b:s16+s3], $0x80, v2, vm0, $0xb8;
	[tilespmem:$0x10800] =	vst v63  }
0x1f3: {  	s22 =	simm.s32 $0x7800  }
0x1f4: {  	[tilespmem:s22], [sflag:$0x1] =	stream.indirect_vreg.gather [hbm4b:s17+s3], $0x80, v2, vm0, $0xb8;
	[tilespmem:$0x10800] =	vst v63  }
0x1f5: {  	s22 =	simm.s32 $0x8000  }
0x1f6: {  	[tilespmem:s22], [sflag:$0x1] =	stream.indirect_vreg.gather [hbm4b:s18+s3], $0x80, v2, vm0, $0xb8;
	[tilespmem:$0x10800] =	vst v63  }
0x1f7: {  	_ =	swait.ge [sflag:s1], $0x8000  }
0x1f8: {  	[sflag:s1] =	ssyncset.done $0x0  }
0x1f9: {  	s22 =	rddreg [dreg:$0xd];
	[sflag:s1] =	ssyncadd.s32 $0xFFFF8000  }
0x1fa: {  	[hbm4b:s22+s3] =	stream.linear.scatter [tilespmem:s25], [sflag:$0x4], $0x8000, $0x38;
	[tilespmem:$0x10800] =	vst v63  }
0x1fb: {  	_ =	swait.ge [sflag:s20], $0x8000  }
0x1fc: {  	[sflag:s20] =	ssyncset.done $0x0  }
0x1fd: {  	[sflag:s20] =	ssyncadd.s32 $0xFFFF8000  }
0x1fe: {  	v2 =	vld.msk [tilespmem:$0x580], $0xff;
	_ =	sdelay $0x4  }
0x1ff: {  	v3 =	vshll.u32 v2, $0x5  }
0x200: {  	v2 =	vand.u32 $0x7, v2;
	v3 =	vand.u32 $0xFFFFFF00, v3  }
0x201: {  	v2 =	vor.u32 v2, v3  }
0x202: {  	v2 =	vperm.xlane v2, v0;
	_ =	sdelay $0x1  }
0x203: {  	v2 =	vadd.s32 v1, v2;
	_ =	sdelay $0x4  }
0x204: {  	[tilespmem:s25], [sflag:$0x2] =	stream.indirect_vreg.gather [hbm4b:s2+s3], $0x80, v2, vm0, $0xb8;
	[tilespmem:$0x10800] =	vst v63  }
0x205: {  	s22 =	simm.s32 $0x9000  }
0x206: {  	[tilespmem:s22], [sflag:$0x2] =	stream.indirect_vreg.gather [hbm4b:s4+s3], $0x80, v2, vm0, $0xb8;
	[tilespmem:$0x10800] =	vst v63  }
0x207: {  	s24 =	simm.s32 $0x9800  }
0x208: {  	[tilespmem:s24], [sflag:$0x2] =	stream.indirect_vreg.gather [hbm4b:s5+s3], $0x80, v2, vm0, $0xb8;
	[tilespmem:$0x10800] =	vst v63  }
0x209: {  	s19 =	simm.s32 $0xA000  }
0x20a: {  	[tilespmem:s19], [sflag:$0x2] =	stream.indirect_vreg.gather [hbm4b:s6+s3], $0x80, v2, vm0, $0xb8;
	[tilespmem:$0x10800] =	vst v63  }
0x20b: {  	s22 =	simm.s32 $0xA800  }
0x20c: {  	[tilespmem:s22], [sflag:$0x2] =	stream.indirect_vreg.gather [hbm4b:s7+s3], $0x80, v2, vm0, $0xb8;
	[tilespmem:$0x10800] =	vst v63  }
0x20d: {  	s28 =	simm.s32 $0xB000  }
0x20e: {  	[tilespmem:s28], [sflag:$0x2] =	stream.indirect_vreg.gather [hbm4b:s8+s3], $0x80, v2, vm0, $0xb8;
	[tilespmem:$0x10800] =	vst v63  }
0x20f: {  	s26 =	simm.s32 $0xB800  }
0x210: {  	[tilespmem:s26], [sflag:$0x2] =	stream.indirect_vreg.gather [hbm4b:s9+s3], $0x80, v2, vm0, $0xb8;
	[tilespmem:$0x10800] =	vst v63  }
0x211: {  	s23 =	simm.s32 $0xC000  }
0x212: {  	[tilespmem:s23], [sflag:$0x2] =	stream.indirect_vreg.gather [hbm4b:s10+s3], $0x80, v2, vm0, $0xb8;
	[tilespmem:$0x10800] =	vst v63  }
0x213: {  	s29 =	simm.s32 $0xC800  }
0x214: {  	[tilespmem:s29], [sflag:$0x2] =	stream.indirect_vreg.gather [hbm4b:s11+s3], $0x80, v2, vm0, $0xb8;
	[tilespmem:$0x10800] =	vst v63  }
0x215: {  	s30 =	simm.s32 $0xD000  }
0x216: {  	[tilespmem:s30], [sflag:$0x2] =	stream.indirect_vreg.gather [hbm4b:s12+s3], $0x80, v2, vm0, $0xb8;
	[tilespmem:$0x10800] =	vst v63  }
0x217: {  	s26 =	simm.s32 $0xD800  }
0x218: {  	[tilespmem:s26], [sflag:$0x2] =	stream.indirect_vreg.gather [hbm4b:s13+s3], $0x80, v2, vm0, $0xb8;
	[tilespmem:$0x10800] =	vst v63  }
0x219: {  	s29 =	simm.s32 $0xE000  }
0x21a: {  	[tilespmem:s29], [sflag:$0x2] =	stream.indirect_vreg.gather [hbm4b:s14+s3], $0x80, v2, vm0, $0xb8;
	[tilespmem:$0x10800] =	vst v63  }
0x21b: {  	s30 =	simm.s32 $0xE800  }
0x21c: {  	[tilespmem:s30], [sflag:$0x2] =	stream.indirect_vreg.gather [hbm4b:s15+s3], $0x80, v2, vm0, $0xb8;
	[tilespmem:$0x10800] =	vst v63  }
0x21d: {  	s22 =	simm.s32 $0xF000  }
0x21e: {  	[tilespmem:s22], [sflag:$0x2] =	stream.indirect_vreg.gather [hbm4b:s16+s3], $0x80, v2, vm0, $0xb8;
	[tilespmem:$0x10800] =	vst v63  }
0x21f: {  	s23 =	simm.s32 $0xF800  }
0x220: {  	[tilespmem:s23], [sflag:$0x2] =	stream.indirect_vreg.gather [hbm4b:s17+s3], $0x80, v2, vm0, $0xb8;
	[tilespmem:$0x10800] =	vst v63  }
0x221: {  	s26 =	simm.s32 $0x10000  }
0x222: {  	[tilespmem:s26], [sflag:$0x2] =	stream.indirect_vreg.gather [hbm4b:s18+s3], $0x80, v2, vm0, $0xb8;
	[tilespmem:$0x10800] =	vst v63  }
0x223: {  	_ =	swait.ge [sflag:s31], $0x8000  }
0x224: {  	[sflag:s31] =	ssyncset.done $0x0  }
0x225: {  	s29 =	rddreg [dreg:$0xe];
	[sflag:s31] =	ssyncadd.s32 $0xFFFF8000  }
0x226: {  	[hbm4b:s29+s3] =	stream.linear.scatter [tilespmem:s21], [sflag:$0x3], $0x8000, $0x38;
	[tilespmem:$0x10800] =	vst v63  }
0x227: {  	_ =	swait.ge [sflag:s0], $0x8000  }
0x228: {  	[sflag:s0] =	ssyncset.done $0x0  }
0x229: {  	[sflag:s0] =	ssyncadd.s32 $0xFFFF8000  }
0x22a: {  	v2 =	vld.msk [tilespmem:$0x600], $0xff;
	_ =	sdelay $0x4  }
0x22b: {  	v3 =	vshll.u32 v2, $0x5  }
0x22c: {  	v2 =	vand.u32 $0x7, v2;
	v3 =	vand.u32 $0xFFFFFF00, v3  }
0x22d: {  	v2 =	vor.u32 v2, v3  }
0x22e: {  	v2 =	vperm.xlane v2, v0;
	_ =	sdelay $0x1  }
0x22f: {  	v2 =	vadd.s32 v1, v2;
	_ =	sdelay $0x4  }
0x230: {  	[tilespmem:s21], [sflag:$0x1] =	stream.indirect_vreg.gather [hbm4b:s2+s3], $0x80, v2, vm0, $0xb8;
	[tilespmem:$0x10800] =	vst v63  }
0x231: {  	s30 =	simm.s32 $0x1000  }
0x232: {  	[tilespmem:s30], [sflag:$0x1] =	stream.indirect_vreg.gather [hbm4b:s4+s3], $0x80, v2, vm0, $0xb8;
	[tilespmem:$0x10800] =	vst v63  }
0x233: {  	s22 =	simm.s32 $0x1800  }
0x234: {  	[tilespmem:s22], [sflag:$0x1] =	stream.indirect_vreg.gather [hbm4b:s5+s3], $0x80, v2, vm0, $0xb8;
	[tilespmem:$0x10800] =	vst v63  }
0x235: {  	s23 =	simm.s32 $0x2000  }
0x236: {  	[tilespmem:s23], [sflag:$0x1] =	stream.indirect_vreg.gather [hbm4b:s6+s3], $0x80, v2, vm0, $0xb8;
	[tilespmem:$0x10800] =	vst v63  }
0x237: {  	s26 =	simm.s32 $0x2800  }
0x238: {  	[tilespmem:s26], [sflag:$0x1] =	stream.indirect_vreg.gather [hbm4b:s7+s3], $0x80, v2, vm0, $0xb8;
	[tilespmem:$0x10800] =	vst v63  }
0x239: {  	s29 =	simm.s32 $0x3000  }
0x23a: {  	[tilespmem:s29], [sflag:$0x1] =	stream.indirect_vreg.gather [hbm4b:s8+s3], $0x80, v2, vm0, $0xb8;
	[tilespmem:$0x10800] =	vst v63  }
0x23b: {  	s30 =	simm.s32 $0x3800  }
0x23c: {  	[tilespmem:s30], [sflag:$0x1] =	stream.indirect_vreg.gather [hbm4b:s9+s3], $0x80, v2, vm0, $0xb8;
	[tilespmem:$0x10800] =	vst v63  }
0x23d: {  	s22 =	simm.s32 $0x4000  }
0x23e: {  	[tilespmem:s22], [sflag:$0x1] =	stream.indirect_vreg.gather [hbm4b:s10+s3], $0x80, v2, vm0, $0xb8;
	[tilespmem:$0x10800] =	vst v63  }
0x23f: {  	s23 =	simm.s32 $0x4800  }
0x240: {  	[tilespmem:s23], [sflag:$0x1] =	stream.indirect_vreg.gather [hbm4b:s11+s3], $0x80, v2, vm0, $0xb8;
	[tilespmem:$0x10800] =	vst v63  }
0x241: {  	s26 =	simm.s32 $0x5000  }
0x242: {  	[tilespmem:s26], [sflag:$0x1] =	stream.indirect_vreg.gather [hbm4b:s12+s3], $0x80, v2, vm0, $0xb8;
	[tilespmem:$0x10800] =	vst v63  }
0x243: {  	s29 =	simm.s32 $0x5800  }
0x244: {  	[tilespmem:s29], [sflag:$0x1] =	stream.indirect_vreg.gather [hbm4b:s13+s3], $0x80, v2, vm0, $0xb8;
	[tilespmem:$0x10800] =	vst v63  }
0x245: {  	s30 =	simm.s32 $0x6000  }
0x246: {  	[tilespmem:s30], [sflag:$0x1] =	stream.indirect_vreg.gather [hbm4b:s14+s3], $0x80, v2, vm0, $0xb8;
	[tilespmem:$0x10800] =	vst v63  }
0x247: {  	s22 =	simm.s32 $0x6800  }
0x248: {  	[tilespmem:s22], [sflag:$0x1] =	stream.indirect_vreg.gather [hbm4b:s15+s3], $0x80, v2, vm0, $0xb8;
	[tilespmem:$0x10800] =	vst v63  }
0x249: {  	s23 =	simm.s32 $0x7000  }
0x24a: {  	[tilespmem:s23], [sflag:$0x1] =	stream.indirect_vreg.gather [hbm4b:s16+s3], $0x80, v2, vm0, $0xb8;
	[tilespmem:$0x10800] =	vst v63  }
0x24b: {  	s26 =	simm.s32 $0x7800  }
0x24c: {  	[tilespmem:s26], [sflag:$0x1] =	stream.indirect_vreg.gather [hbm4b:s17+s3], $0x80, v2, vm0, $0xb8;
	[tilespmem:$0x10800] =	vst v63  }
0x24d: {  	s29 =	simm.s32 $0x8000  }
0x24e: {  	[tilespmem:s29], [sflag:$0x1] =	stream.indirect_vreg.gather [hbm4b:s18+s3], $0x80, v2, vm0, $0xb8;
	[tilespmem:$0x10800] =	vst v63  }
0x24f: {  	_ =	swait.ge [sflag:s1], $0x8000  }
0x250: {  	[sflag:s1] =	ssyncset.done $0x0  }
0x251: {  	s30 =	rddreg [dreg:$0xf];
	[sflag:s1] =	ssyncadd.s32 $0xFFFF8000  }
0x252: {  	[hbm4b:s30+s3] =	stream.linear.scatter [tilespmem:s25], [sflag:$0x4], $0x8000, $0x38;
	[tilespmem:$0x10800] =	vst v63  }
0x253: {  	_ =	swait.ge [sflag:s20], $0x8000  }
0x254: {  	[sflag:s20] =	ssyncset.done $0x0  }
0x255: {  	[sflag:s20] =	ssyncadd.s32 $0xFFFF8000  }
0x256: {  	v2 =	vld.msk [tilespmem:$0x680], $0xff;
	_ =	sdelay $0x4  }
0x257: {  	v3 =	vshll.u32 v2, $0x5  }
0x258: {  	v2 =	vand.u32 $0x7, v2;
	v3 =	vand.u32 $0xFFFFFF00, v3  }
0x259: {  	v2 =	vor.u32 v2, v3  }
0x25a: {  	v2 =	vperm.xlane v2, v0;
	_ =	sdelay $0x1  }
0x25b: {  	v2 =	vadd.s32 v1, v2;
	_ =	sdelay $0x4  }
0x25c: {  	[tilespmem:s25], [sflag:$0x2] =	stream.indirect_vreg.gather [hbm4b:s2+s3], $0x80, v2, vm0, $0xb8;
	[tilespmem:$0x10800] =	vst v63  }
0x25d: {  	s19 =	simm.s32 $0x9000  }
0x25e: {  	[tilespmem:s19], [sflag:$0x2] =	stream.indirect_vreg.gather [hbm4b:s4+s3], $0x80, v2, vm0, $0xb8;
	[tilespmem:$0x10800] =	vst v63  }
0x25f: {  	s23 =	simm.s32 $0x9800  }
0x260: {  	[tilespmem:s23], [sflag:$0x2] =	stream.indirect_vreg.gather [hbm4b:s5+s3], $0x80, v2, vm0, $0xb8;
	[tilespmem:$0x10800] =	vst v63  }
0x261: {  	s24 =	simm.s32 $0xA000  }
0x262: {  	[tilespmem:s24], [sflag:$0x2] =	stream.indirect_vreg.gather [hbm4b:s6+s3], $0x80, v2, vm0, $0xb8;
	[tilespmem:$0x10800] =	vst v63  }
0x263: {  	s26 =	simm.s32 $0xA800  }
0x264: {  	[tilespmem:s26], [sflag:$0x2] =	stream.indirect_vreg.gather [hbm4b:s7+s3], $0x80, v2, vm0, $0xb8;
	[tilespmem:$0x10800] =	vst v63  }
0x265: {  	s29 =	simm.s32 $0xB000  }
0x266: {  	[tilespmem:s29], [sflag:$0x2] =	stream.indirect_vreg.gather [hbm4b:s8+s3], $0x80, v2, vm0, $0xb8;
	[tilespmem:$0x10800] =	vst v63  }
0x267: {  	s28 =	simm.s32 $0xB800  }
0x268: {  	[tilespmem:s28], [sflag:$0x2] =	stream.indirect_vreg.gather [hbm4b:s9+s3], $0x80, v2, vm0, $0xb8;
	[tilespmem:$0x10800] =	vst v63  }
0x269: {  	s30 =	simm.s32 $0xC000  }
0x26a: {  	[tilespmem:s30], [sflag:$0x2] =	stream.indirect_vreg.gather [hbm4b:s10+s3], $0x80, v2, vm0, $0xb8;
	[tilespmem:$0x10800] =	vst v63  }
0x26b: {  	s22 =	simm.s32 $0xC800  }
0x26c: {  	[tilespmem:s22], [sflag:$0x2] =	stream.indirect_vreg.gather [hbm4b:s11+s3], $0x80, v2, vm0, $0xb8;
	[tilespmem:$0x10800] =	vst v63  }
0x26d: {  	s22 =	simm.s32 $0xD000  }
0x26e: {  	[tilespmem:s22], [sflag:$0x2] =	stream.indirect_vreg.gather [hbm4b:s12+s3], $0x80, v2, vm0, $0xb8;
	[tilespmem:$0x10800] =	vst v63  }
0x26f: {  	s22 =	simm.s32 $0xD800  }
0x270: {  	[tilespmem:s22], [sflag:$0x2] =	stream.indirect_vreg.gather [hbm4b:s13+s3], $0x80, v2, vm0, $0xb8;
	[tilespmem:$0x10800] =	vst v63  }
0x271: {  	s22 =	simm.s32 $0xE000  }
0x272: {  	[tilespmem:s22], [sflag:$0x2] =	stream.indirect_vreg.gather [hbm4b:s14+s3], $0x80, v2, vm0, $0xb8;
	[tilespmem:$0x10800] =	vst v63  }
0x273: {  	s22 =	simm.s32 $0xE800  }
0x274: {  	[tilespmem:s22], [sflag:$0x2] =	stream.indirect_vreg.gather [hbm4b:s15+s3], $0x80, v2, vm0, $0xb8;
	[tilespmem:$0x10800] =	vst v63  }
0x275: {  	s22 =	simm.s32 $0xF000  }
0x276: {  	[tilespmem:s22], [sflag:$0x2] =	stream.indirect_vreg.gather [hbm4b:s16+s3], $0x80, v2, vm0, $0xb8;
	[tilespmem:$0x10800] =	vst v63  }
0x277: {  	s22 =	simm.s32 $0xF800  }
0x278: {  	[tilespmem:s22], [sflag:$0x2] =	stream.indirect_vreg.gather [hbm4b:s17+s3], $0x80, v2, vm0, $0xb8;
	[tilespmem:$0x10800] =	vst v63  }
0x279: {  	s22 =	simm.s32 $0x10000  }
0x27a: {  	[tilespmem:s22], [sflag:$0x2] =	stream.indirect_vreg.gather [hbm4b:s18+s3], $0x80, v2, vm0, $0xb8;
	[tilespmem:$0x10800] =	vst v63  }
0x27b: {  	_ =	swait.ge [sflag:s31], $0x8000  }
0x27c: {  	[sflag:s31] =	ssyncset.done $0x0  }
0x27d: {  	s22 =	rddreg [dreg:$0x10];
	[sflag:s31] =	ssyncadd.s32 $0xFFFF8000  }
0x27e: {  	[hbm4b:s22+s3] =	stream.linear.scatter [tilespmem:s21], [sflag:$0x3], $0x8000, $0x38;
	[tilespmem:$0x10800] =	vst v63  }
0x27f: {  	_ =	swait.ge [sflag:s0], $0x8000  }
0x280: {  	[sflag:s0] =	ssyncset.done $0x0  }
0x281: {  	[sflag:s0] =	ssyncadd.s32 $0xFFFF8000  }
0x282: {  	v2 =	vld.msk [tilespmem:$0x700], $0xff;
	_ =	sdelay $0x4  }
0x283: {  	v3 =	vshll.u32 v2, $0x5  }
0x284: {  	v2 =	vand.u32 $0x7, v2;
	v3 =	vand.u32 $0xFFFFFF00, v3  }
0x285: {  	v2 =	vor.u32 v2, v3  }
0x286: {  	v2 =	vperm.xlane v2, v0;
	_ =	sdelay $0x1  }
0x287: {  	v2 =	vadd.s32 v1, v2;
	_ =	sdelay $0x4  }
0x288: {  	[tilespmem:s21], [sflag:$0x1] =	stream.indirect_vreg.gather [hbm4b:s2+s3], $0x80, v2, vm0, $0xb8;
	[tilespmem:$0x10800] =	vst v63  }
0x289: {  	s22 =	simm.s32 $0x1000  }
0x28a: {  	[tilespmem:s22], [sflag:$0x1] =	stream.indirect_vreg.gather [hbm4b:s4+s3], $0x80, v2, vm0, $0xb8;
	[tilespmem:$0x10800] =	vst v63  }
0x28b: {  	s22 =	simm.s32 $0x1800  }
0x28c: {  	[tilespmem:s22], [sflag:$0x1] =	stream.indirect_vreg.gather [hbm4b:s5+s3], $0x80, v2, vm0, $0xb8;
	[tilespmem:$0x10800] =	vst v63  }
0x28d: {  	s22 =	simm.s32 $0x2000  }
0x28e: {  	[tilespmem:s22], [sflag:$0x1] =	stream.indirect_vreg.gather [hbm4b:s6+s3], $0x80, v2, vm0, $0xb8;
	[tilespmem:$0x10800] =	vst v63  }
0x28f: {  	s22 =	simm.s32 $0x2800  }
0x290: {  	[tilespmem:s22], [sflag:$0x1] =	stream.indirect_vreg.gather [hbm4b:s7+s3], $0x80, v2, vm0, $0xb8;
	[tilespmem:$0x10800] =	vst v63  }
0x291: {  	s22 =	simm.s32 $0x3000  }
0x292: {  	[tilespmem:s22], [sflag:$0x1] =	stream.indirect_vreg.gather [hbm4b:s8+s3], $0x80, v2, vm0, $0xb8;
	[tilespmem:$0x10800] =	vst v63  }
0x293: {  	s22 =	simm.s32 $0x3800  }
0x294: {  	[tilespmem:s22], [sflag:$0x1] =	stream.indirect_vreg.gather [hbm4b:s9+s3], $0x80, v2, vm0, $0xb8;
	[tilespmem:$0x10800] =	vst v63  }
0x295: {  	s22 =	simm.s32 $0x4000  }
0x296: {  	[tilespmem:s22], [sflag:$0x1] =	stream.indirect_vreg.gather [hbm4b:s10+s3], $0x80, v2, vm0, $0xb8;
	[tilespmem:$0x10800] =	vst v63  }
0x297: {  	s22 =	simm.s32 $0x4800  }
0x298: {  	[tilespmem:s22], [sflag:$0x1] =	stream.indirect_vreg.gather [hbm4b:s11+s3], $0x80, v2, vm0, $0xb8;
	[tilespmem:$0x10800] =	vst v63  }
0x299: {  	s22 =	simm.s32 $0x5000  }
0x29a: {  	[tilespmem:s22], [sflag:$0x1] =	stream.indirect_vreg.gather [hbm4b:s12+s3], $0x80, v2, vm0, $0xb8;
	[tilespmem:$0x10800] =	vst v63  }
0x29b: {  	s22 =	simm.s32 $0x5800  }
0x29c: {  	[tilespmem:s22], [sflag:$0x1] =	stream.indirect_vreg.gather [hbm4b:s13+s3], $0x80, v2, vm0, $0xb8;
	[tilespmem:$0x10800] =	vst v63  }
0x29d: {  	s22 =	simm.s32 $0x6000  }
0x29e: {  	[tilespmem:s22], [sflag:$0x1] =	stream.indirect_vreg.gather [hbm4b:s14+s3], $0x80, v2, vm0, $0xb8;
	[tilespmem:$0x10800] =	vst v63  }
0x29f: {  	s22 =	simm.s32 $0x6800  }
0x2a0: {  	[tilespmem:s22], [sflag:$0x1] =	stream.indirect_vreg.gather [hbm4b:s15+s3], $0x80, v2, vm0, $0xb8;
	[tilespmem:$0x10800] =	vst v63  }
0x2a1: {  	s22 =	simm.s32 $0x7000  }
0x2a2: {  	[tilespmem:s22], [sflag:$0x1] =	stream.indirect_vreg.gather [hbm4b:s16+s3], $0x80, v2, vm0, $0xb8;
	[tilespmem:$0x10800] =	vst v63  }
0x2a3: {  	s22 =	simm.s32 $0x7800  }
0x2a4: {  	[tilespmem:s22], [sflag:$0x1] =	stream.indirect_vreg.gather [hbm4b:s17+s3], $0x80, v2, vm0, $0xb8;
	[tilespmem:$0x10800] =	vst v63  }
0x2a5: {  	s22 =	simm.s32 $0x8000  }
0x2a6: {  	[tilespmem:s22], [sflag:$0x1] =	stream.indirect_vreg.gather [hbm4b:s18+s3], $0x80, v2, vm0, $0xb8;
	[tilespmem:$0x10800] =	vst v63  }
0x2a7: {  	_ =	swait.ge [sflag:s1], $0x8000  }
0x2a8: {  	[sflag:s1] =	ssyncset.done $0x0  }
0x2a9: {  	s22 =	rddreg [dreg:$0x11];
	[sflag:s1] =	ssyncadd.s32 $0xFFFF8000  }
0x2aa: {  	[hbm4b:s22+s3] =	stream.linear.scatter [tilespmem:s25], [sflag:$0x4], $0x8000, $0x38;
	[tilespmem:$0x10800] =	vst v63  }
0x2ab: {  	_ =	swait.ge [sflag:s20], $0x8000  }
0x2ac: {  	[sflag:s20] =	ssyncset.done $0x0  }
0x2ad: {  	[sflag:s20] =	ssyncadd.s32 $0xFFFF8000  }
0x2ae: {  	v2 =	vld.msk [tilespmem:$0x780], $0xff;
	_ =	sdelay $0x4  }
0x2af: {  	v3 =	vshll.u32 v2, $0x5  }
0x2b0: {  	v2 =	vand.u32 $0x7, v2;
	v3 =	vand.u32 $0xFFFFFF00, v3  }
0x2b1: {  	v2 =	vor.u32 v2, v3  }
0x2b2: {  	v2 =	vperm.xlane v2, v0;
	_ =	sdelay $0x1  }
0x2b3: {  	v2 =	vadd.s32 v1, v2;
	_ =	sdelay $0x4  }
0x2b4: {  	[tilespmem:s25], [sflag:$0x2] =	stream.indirect_vreg.gather [hbm4b:s2+s3], $0x80, v2, vm0, $0xb8;
	[tilespmem:$0x10800] =	vst v63  }
0x2b5: {  	s19 =	simm.s32 $0x9000  }
0x2b6: {  	[tilespmem:s19], [sflag:$0x2] =	stream.indirect_vreg.gather [hbm4b:s4+s3], $0x80, v2, vm0, $0xb8;
	[tilespmem:$0x10800] =	vst v63  }
0x2b7: {  	s23 =	simm.s32 $0x9800  }
0x2b8: {  	[tilespmem:s23], [sflag:$0x2] =	stream.indirect_vreg.gather [hbm4b:s5+s3], $0x80, v2, vm0, $0xb8;
	[tilespmem:$0x10800] =	vst v63  }
0x2b9: {  	s24 =	simm.s32 $0xA000  }
0x2ba: {  	[tilespmem:s24], [sflag:$0x2] =	stream.indirect_vreg.gather [hbm4b:s6+s3], $0x80, v2, vm0, $0xb8;
	[tilespmem:$0x10800] =	vst v63  }
0x2bb: {  	s26 =	simm.s32 $0xA800  }
0x2bc: {  	[tilespmem:s26], [sflag:$0x2] =	stream.indirect_vreg.gather [hbm4b:s7+s3], $0x80, v2, vm0, $0xb8;
	[tilespmem:$0x10800] =	vst v63  }
0x2bd: {  	s29 =	simm.s32 $0xB000  }
0x2be: {  	[tilespmem:s29], [sflag:$0x2] =	stream.indirect_vreg.gather [hbm4b:s8+s3], $0x80, v2, vm0, $0xb8;
	[tilespmem:$0x10800] =	vst v63  }
0x2bf: {  	s28 =	simm.s32 $0xB800  }
0x2c0: {  	[tilespmem:s28], [sflag:$0x2] =	stream.indirect_vreg.gather [hbm4b:s9+s3], $0x80, v2, vm0, $0xb8;
	[tilespmem:$0x10800] =	vst v63  }
0x2c1: {  	s30 =	simm.s32 $0xC000  }
0x2c2: {  	[tilespmem:s30], [sflag:$0x2] =	stream.indirect_vreg.gather [hbm4b:s10+s3], $0x80, v2, vm0, $0xb8;
	[tilespmem:$0x10800] =	vst v63  }
0x2c3: {  	s28 =	simm.s32 $0xC800  }
0x2c4: {  	[tilespmem:s28], [sflag:$0x2] =	stream.indirect_vreg.gather [hbm4b:s11+s3], $0x80, v2, vm0, $0xb8;
	[tilespmem:$0x10800] =	vst v63  }
0x2c5: {  	s29 =	simm.s32 $0xD000  }
0x2c6: {  	[tilespmem:s29], [sflag:$0x2] =	stream.indirect_vreg.gather [hbm4b:s12+s3], $0x80, v2, vm0, $0xb8;
	[tilespmem:$0x10800] =	vst v63  }
0x2c7: {  	s30 =	simm.s32 $0xD800  }
0x2c8: {  	[tilespmem:s30], [sflag:$0x2] =	stream.indirect_vreg.gather [hbm4b:s13+s3], $0x80, v2, vm0, $0xb8;
	[tilespmem:$0x10800] =	vst v63  }
0x2c9: {  	s22 =	simm.s32 $0xE000  }
0x2ca: {  	[tilespmem:s22], [sflag:$0x2] =	stream.indirect_vreg.gather [hbm4b:s14+s3], $0x80, v2, vm0, $0xb8;
	[tilespmem:$0x10800] =	vst v63  }
0x2cb: {  	s23 =	simm.s32 $0xE800  }
0x2cc: {  	[tilespmem:s23], [sflag:$0x2] =	stream.indirect_vreg.gather [hbm4b:s15+s3], $0x80, v2, vm0, $0xb8;
	[tilespmem:$0x10800] =	vst v63  }
0x2cd: {  	s24 =	simm.s32 $0xF000  }
0x2ce: {  	[tilespmem:s24], [sflag:$0x2] =	stream.indirect_vreg.gather [hbm4b:s16+s3], $0x80, v2, vm0, $0xb8;
	[tilespmem:$0x10800] =	vst v63  }
0x2cf: {  	s26 =	simm.s32 $0xF800  }
0x2d0: {  	[tilespmem:s26], [sflag:$0x2] =	stream.indirect_vreg.gather [hbm4b:s17+s3], $0x80, v2, vm0, $0xb8;
	[tilespmem:$0x10800] =	vst v63  }
0x2d1: {  	s28 =	simm.s32 $0x10000  }
0x2d2: {  	[tilespmem:s28], [sflag:$0x2] =	stream.indirect_vreg.gather [hbm4b:s18+s3], $0x80, v2, vm0, $0xb8;
	[tilespmem:$0x10800] =	vst v63  }
0x2d3: {  	s19 =	rddreg [dreg:$0x14];
	_ =	swait.ge [sflag:s31], $0x8000  }
0x2d4: {  	[sflag:s31] =	ssyncset.done $0x0  }
0x2d5: {  	s29 =	rddreg [dreg:$0x12];
	[sflag:s31] =	ssyncadd.s32 $0xFFFF8000  }
0x2d6: {  	[hbm4b:s29+s3] =	stream.linear.scatter [tilespmem:s21], [sflag:$0x3], $0x8000, $0x38;
	[tilespmem:$0x10800] =	vst v63  }
0x2d7: {  	_ =	swait.ge [sflag:s1], $0x8000  }
0x2d8: {  	[sflag:s1] =	ssyncset.done $0x0  }
0x2d9: {  	s30 =	rddreg [dreg:$0x13];
	[sflag:s1] =	ssyncadd.s32 $0xFFFF8000  }
0x2da: {  	[hbm4b:s30+s3] =	stream.linear.scatter [tilespmem:s25], [sflag:$0x4], $0x8000, $0x38;
	[tilespmem:$0x10800] =	vst v63  }
0x2db: {  	p0 =	sne.s32 s19, $0x1;
	_ =	swait.ge [sflag:s0], $0x8000  }
.Ltmp0:
0x2dc: {  	[sflag:s0] =	ssyncset.done $0x0;
	(pc) =	sbr.rel @p0 .LBB2_1-.Ltmp0, $4  }
0x2dd: {  	[sflag:s0] =	ssyncadd.s32 $0xFFFF8000  }
0x2de: {  	_ =	swait.ge [sflag:s20], $0x8000  }
0x2df: {  	[sflag:s20] =	ssyncset.done $0x0  }
0x2e0: {  	s19 =	sadd.s32 $0xFFFFFFFF, s19;
	[sflag:s20] =	ssyncadd.s32 $0xFFFF8000  }
0x2e1: {  	_ =	sfence.sel $0x180000  }
0x2e2: {  	[bflag:$0x0] =	sbarrier.arrive $0xFFFF  }
0x2e3: {  	_ =	strace $0x90000047  }
0x2e4: {  	s0 =	stileid.u32;
	[bflag:$0x2] =	sbarrier.arrive $0xFFFF  }
0x2e5: {  	p0 =	sne.s32 s0, $0x0;
	s0 =	rddreg [dreg:$0x2]  }
0x2e6: {  	s0 =	sadd.s32 @!p0 $0x100000, s0  }
0x2e7: {  	[sflag:s0] =	ssyncadd.tile.s32 @!p0 $0x1;
	_ =	shalt  }
.Lfunc_end2:
_tile_overlayer_lowered:
.L_overlay_start_2:
0x2e8: {  	(tag) =	ssettag $0x2  }
0x2e9: {  	s0 =	rddreg [dreg:$0x0];
	s2 =	stileid.u32  }
0x2ea: {  	s1 =	rddreg [dreg:$0x1];
	p0 =	sne.s32 s2, $0x0  }
0x2eb: {  	s3 =	rddreg [dreg:$0x2];
	[bflag:$0x3] =	sbarrier.arrive $0xFFFF;
	s2 =	simm.s32 @!p0 $0x1C05  }
0x2ec: {  	[timem:s3], [sflag:s2] =	dma.local @!p0 [hbm:s0], s1  }
0x2ed: {  	s0 =	simm.s32 @!p0 $0x5  }
0x2ee: {  	_ =	swait.ge @!p0 [sflag:s0], s1  }
0x2ef: {  	s1 =	ssub.s32 @!p0 $0x0, s1;
	[sflag:s0] =	ssyncset.done @!p0 $0x0  }
0x2f0: {  	[sflag:s0] =	ssyncadd.s32 @!p0 s1  }
0x2f1: {  	[bflag:$0x3] =	sbarrier.arrive $0xFFFF  }
0x2f2: {  	_ =	shalt  }

</sc_bundles>
